<compile_context>
chip_gen: v7x
topology: tpu7x:2x2x1
jax: 0.10.2.dev20260603
libtpu: 0.0.44.dev20260713+nightly
codegen_flags: <defaults>
</compile_context>

<pallas_src>
import functools
import math

import jax
import jax.numpy as jnp
from jax import lax
from jax.experimental import pallas as pl
from jax.experimental.pallas import tpu as pltpu
from jax.experimental.pallas import tpu_sc as plsc

B = 64
N = 8732
NCLS = 21
CHUNK = 2183
NCHUNK = N // CHUNK
NB = 2048
NL = 16
NW = 32
PER_TILE = (B * N) // NW
FULL_VREGS = PER_TILE // NL
TAIL = PER_TILE - FULL_VREGS * NL
CLIP_LOG = math.log(1e-7)
NEG_POS_RATIO = 3.0
NEGATIVES_FOR_HARD = 100.0




def _k1_body(yt_ref, yp0_ref, yp1_ref, mc_ref, cl_ref, np_ref, pc_ref, pll_ref):
    yt = yt_ref[0, 0]
    yp0 = yp0_ref[0, 0]
    yp1 = yp1_ref[0, 0]

    ex = jnp.exp(yp1)
    s = jnp.sum(ex, axis=1, keepdims=True)
    logp = yp1 - jnp.log(s)
    clipped = jnp.maximum(logp, CLIP_LOG)
    cl = -jnp.sum(yt[:, 4:25] * clipped, axis=1, keepdims=True)

    d = yt[:, 0:4] - yp0
    a = jnp.abs(d)
    sl = jnp.where(a < 1.0, 0.5 * d * d, a - 0.5)
    loc = jnp.sum(sl, axis=1, keepdims=True)

    w = yt[:, 25:26]
    psum = jnp.sum(ex[:, 1:21], axis=1, keepdims=True) / s
    mc = (1.0 - w) * psum

    mc_ref[0] = mc
    cl_ref[0] = cl
    np_ref[0, 0, 0, 0] = jnp.sum(w)
    pc_ref[0, 0, 0, 0] = jnp.sum(w * cl)
    pll_ref[0, 0, 0, 0] = jnp.sum(w * loc)


def _k1_call(y_true, y_pred_0, y_pred_1, interpret=False):
    yt4 = y_true.reshape(B, NCHUNK, CHUNK, 26)
    yp04 = y_pred_0.reshape(B, NCHUNK, CHUNK, 4)
    yp14 = y_pred_1.reshape(B, NCHUNK, CHUNK, NCLS)
    return pl.pallas_call(
        _k1_body,
        grid=(B, NCHUNK),
        in_specs=[
            pl.BlockSpec((1, 1, CHUNK, 26), lambda b, c: (b, c, 0, 0)),
            pl.BlockSpec((1, 1, CHUNK, 4), lambda b, c: (b, c, 0, 0)),
            pl.BlockSpec((1, 1, CHUNK, NCLS), lambda b, c: (b, c, 0, 0)),
        ],
        out_specs=[
            pl.BlockSpec((1, CHUNK, 1), lambda b, c: (b * NCHUNK + c, 0, 0)),
            pl.BlockSpec((1, CHUNK, 1), lambda b, c: (b * NCHUNK + c, 0, 0)),
            pl.BlockSpec((1, 1, 1, 1), lambda b, c: (b, c, 0, 0),
                         memory_space=pltpu.SMEM),
            pl.BlockSpec((1, 1, 1, 1), lambda b, c: (b, c, 0, 0),
                         memory_space=pltpu.SMEM),
            pl.BlockSpec((1, 1, 1, 1), lambda b, c: (b, c, 0, 0),
                         memory_space=pltpu.SMEM),
        ],
        out_shape=[
            jax.ShapeDtypeStruct((B * NCHUNK, CHUNK, 1), jnp.float32),
            jax.ShapeDtypeStruct((B * NCHUNK, CHUNK, 1), jnp.float32),
            jax.ShapeDtypeStruct((B, NCHUNK, 1, 1), jnp.float32),
            jax.ShapeDtypeStruct((B, NCHUNK, 1, 1), jnp.float32),
            jax.ShapeDtypeStruct((B, NCHUNK, 1, 1), jnp.float32),
        ],
        compiler_params=pltpu.CompilerParams(
            dimension_semantics=("parallel", "parallel"),
        ),
        interpret=interpret,
    )(yt4, yp04, yp14)




def _k2_body(mc_hbm, cl_hbm, hc_hbm, hs_hbm, mc_v, cl_v, hc_v, hs_v):
    wid = lax.axis_index("s") * 2 + lax.axis_index("c")
    base = pl.multiple_of(wid * PER_TILE, 8)
    pltpu.sync_copy(mc_hbm.at[pl.ds(base, PER_TILE)], mc_v)
    pltpu.sync_copy(cl_hbm.at[pl.ds(base, PER_TILE)], cl_v)

    zeros = jnp.zeros((NL,), jnp.float32)
    ones = jnp.ones((NL,), jnp.float32)
    lanes = lax.iota(jnp.int32, NL)
    stripe = lanes * NB
    full = lanes >= 0

    def zinit(i, _):
        hc_v[pl.ds(i * NL, NL)] = zeros
        hs_v[pl.ds(i * NL, NL)] = zeros
        return 0

    lax.fori_loop(0, (NL * NB) // NL, zinit, 0)

    def hist_step(i, _):
        mcv = mc_v[pl.ds(i * NL, NL)]
        clv = cl_v[pl.ds(i * NL, NL)]
        b = jnp.clip((mcv * float(NB)).astype(jnp.int32), 0, NB - 1)
        idx = stripe + b
        plsc.addupdate_scatter(hc_v, [idx], ones, mask=full)
        plsc.addupdate_scatter(hs_v, [idx], clv, mask=full)
        return 0

    lax.fori_loop(0, FULL_VREGS, hist_step, 0)

    mcv = mc_v[pl.ds(PER_TILE - NL, NL)]
    clv = cl_v[pl.ds(PER_TILE - NL, NL)]
    b = jnp.clip((mcv * float(NB)).astype(jnp.int32), 0, NB - 1)
    idx = stripe + b
    mask = lanes >= (NL - TAIL)
    plsc.addupdate_scatter(hc_v, [idx], ones, mask=mask)
    plsc.addupdate_scatter(hs_v, [idx], clv, mask=mask)

    pltpu.sync_copy(hc_v, hc_hbm.at[wid])
    pltpu.sync_copy(hs_v, hs_hbm.at[wid])


def _k2_call(mc_flat, cl_flat):
    mesh = plsc.VectorSubcoreMesh(core_axis_name="c", subcore_axis_name="s")
    k = functools.partial(
        pl.kernel,
        mesh=mesh,
        out_type=[
            jax.ShapeDtypeStruct((NW, NL * NB), jnp.float32),
            jax.ShapeDtypeStruct((NW, NL * NB), jnp.float32),
        ],
        scratch_types=[
            pltpu.VMEM((PER_TILE,), jnp.float32),
            pltpu.VMEM((PER_TILE,), jnp.float32),
            pltpu.VMEM((NL * NB,), jnp.float32),
            pltpu.VMEM((NL * NB,), jnp.float32),
        ],
        compiler_params=pltpu.CompilerParams(needs_layout_passes=False),
    )(_k2_body)
    return k(mc_flat, cl_flat)




def _k3_body(hc_ref, hs_ref, np_ref, pc_ref, pll_ref, out_ref):
    cnt = jnp.sum(hc_ref[...], axis=0, keepdims=True)
    hsum = jnp.sum(hs_ref[...], axis=0, keepdims=True)
    iota = lax.broadcasted_iota(jnp.int32, (1, NB), 1)

    np_b = jnp.sum(np_ref[...], axis=1)
    num_neg = jnp.minimum(NEG_POS_RATIO * np_b, float(N) - np_b)
    has_pos = jnp.sum((np_b > 0.0).astype(jnp.float32))
    nnb = jnp.where(has_pos > 0.0, jnp.sum(num_neg), NEGATIVES_FOR_HARD)
    kf = jnp.floor(nnb)
    total_cnt = jnp.sum(cnt)
    kf = jnp.clip(kf, 0.0, total_cnt)

    def suffix(bb):
        return jnp.sum(jnp.where(iota >= bb, cnt, 0.0))

    lo = jnp.int32(0)
    step = NB // 2
    while step >= 1:
        cand = lo + step
        ok = jnp.logical_and(cand <= NB - 1, suffix(cand) >= kf)
        lo = jnp.where(ok, cand, lo)
        step //= 2
    above = suffix(lo + 1)
    sum_above = jnp.sum(jnp.where(iota >= lo + 1, hsum, 0.0))
    cnt_b = suffix(lo) - above
    r = kf - above
    frac = jnp.where(cnt_b > 0.0, r / jnp.maximum(cnt_b, 1.0), 0.0)
    bin_sum = jnp.sum(jnp.where(iota == lo, hsum, 0.0))
    neg = sum_above + frac * bin_sum

    np_nz = jnp.where(np_b != 0.0, np_b, 1.0)
    denom = jnp.sum(np_nz)
    total = (jnp.sum(pc_ref[...]) + neg + jnp.sum(pll_ref[...])) / denom
    out_ref[0, 0] = total


def _k3_call(hc, hs, npp, pcp, plp, interpret=False):
    return pl.pallas_call(
        _k3_body,
        out_shape=jax.ShapeDtypeStruct((1, 1), jnp.float32),
        out_specs=pl.BlockSpec(memory_space=pltpu.SMEM),
        interpret=interpret,
    )(hc, hs, npp, pcp, plp)


def kernel(y_true, y_pred_0, y_pred_1):
    mc, cl, npp, pcp, plp = _k1_call(y_true, y_pred_0, y_pred_1)
    hc, hs = _k2_call(mc.reshape(-1), cl.reshape(-1))
    out = _k3_call(hc.reshape(NW * NL, NB), hs.reshape(NW * NL, NB),
                   npp.reshape(B, NCHUNK), pcp.reshape(B, NCHUNK),
                   plp.reshape(B, NCHUNK))
    return out[0, 0]

# --- scband reference (transcript-rebuilt; emitter-appended) ---
"""Pipeline reference for scband-multibox-loss-54563264529055 (READ-ONLY COPY).

The authoritative reference and input builder live on the scoring server;
editing this copy changes nothing except your own understanding.
"""

import jax, jax.numpy as jnp
import numpy as np

NUM_CLASSES = 21
ALPHA = 1.0
NEG_POS_RATIO = 3.0
BACKGROUND_LABEL_ID = 0
NEGATIVES_FOR_HARD = 100.0


def setup_inputs(seed: int = 0):
    key = jax.random.key(seed)
    k1, k2, k3 = jax.random.split(key, 3)
    B, N = 64, 8732
    y_true = jax.random.uniform(k1, (B, N, 4 + NUM_CLASSES + 1), dtype=jnp.float32)
    y_pred_0 = jax.random.normal(k2, (B, N, 4), dtype=jnp.float32)
    y_pred_1 = jax.random.normal(k3, (B, N, NUM_CLASSES), dtype=jnp.float32)
    return {"y_true": y_true, "y_pred_0": y_pred_0, "y_pred_1": y_pred_1}


def _l1_smooth_loss(y_true, y_pred):
    abs_loss = jnp.abs(y_true - y_pred)
    sq_loss = 0.5 * (y_true - y_pred) ** 2
    l1_loss = jnp.where(abs_loss < 1.0, sq_loss, abs_loss - 0.5)
    return jnp.sum(l1_loss, axis=-1)


def _softmax_loss(y_true, y_pred):
    y_pred = jnp.clip(y_pred, 1e-07, None)
    return -jnp.sum(y_true * jnp.log(y_pred), axis=-1)


def reference(y_true, y_pred_0, y_pred_1):
    num_boxes = y_true.shape[1]
    y_pred = jnp.concatenate([y_pred_0, jax.nn.softmax(y_pred_1, axis=-1)], axis=-1)
    conf_loss = _softmax_loss(y_true[:, :, 4:-1], y_pred[:, :, 4:])
    loc_loss = _l1_smooth_loss(y_true[:, :, :4], y_pred[:, :, :4])
    pos_loc_loss = jnp.sum(loc_loss * y_true[:, :, -1], axis=1)
    pos_conf_loss = jnp.sum(conf_loss * y_true[:, :, -1], axis=1)
    num_pos = jnp.sum(y_true[:, :, -1], axis=-1)
    num_neg = jnp.minimum(NEG_POS_RATIO * num_pos, num_boxes - num_pos)
    has_pos = jnp.sum(num_pos > 0)
    num_neg_batch = jnp.where(has_pos > 0, jnp.sum(num_neg), NEGATIVES_FOR_HARD)
    confs_start = 4 + BACKGROUND_LABEL_ID + 1
    confs_end = confs_start + NUM_CLASSES - 1
    max_confs = (1.0 - y_true[:, :, -1]) * jnp.sum(y_pred[:, :, confs_start:confs_end], axis=2)
    max_confs = max_confs.reshape(-1)
    k = jnp.floor(num_neg_batch).astype(jnp.int32)
    total = max_confs.shape[0]
    _, indices = jax.lax.top_k(max_confs, total)
    neg_vals = conf_loss.reshape(-1)[indices]
    neg_conf_loss = jnp.where(jnp.arange(total) < k, neg_vals, 0.0)
    num_pos = jnp.where(num_pos != 0, num_pos, jnp.ones_like(num_pos))
    total_loss = jnp.sum(pos_conf_loss) + jnp.sum(neg_conf_loss) + jnp.sum(ALPHA * pos_loc_loss)
    total_loss = total_loss / jnp.sum(num_pos)
    return total_loss

if __name__ == "__main__":
    import jax
    _d = setup_inputs()
    print(jax.jit(kernel)(*tuple(_d.values())))

</pallas_src>

<mosaic_0001>
#map = affine_map<(d0, d1) -> (0)>
#map1 = affine_map<(d0, d1) -> (0, 0)>
module attributes {stable_mosaic.version = 14 : i64} {
  func.func @_k2_body(%arg0: i32, %arg1: i32, %arg2: memref<558848xf32, #tpu.memory_space<hbm>>, %arg3: memref<558848xf32, #tpu.memory_space<hbm>>, %arg4: memref<32x32768xf32, #tpu.memory_space<hbm>>, %arg5: memref<32x32768xf32, #tpu.memory_space<hbm>>, %arg6: memref<17464xf32, #tpu.memory_space<vmem>>, %arg7: memref<17464xf32, #tpu.memory_space<vmem>>, %arg8: memref<32768xf32, #tpu.memory_space<vmem>>, %arg9: memref<32768xf32, #tpu.memory_space<vmem>>) attributes {dimension_semantics = [#tpu.dimension_semantics<core_parallel>, #tpu.dimension_semantics<subcore_parallel>], iteration_bounds = array<i64: 2, 16>, scalar_prefetch = 0 : i64, scratch_operands = 4 : i64, tpu.core_type = #tpu.core_type<sc_vector_subcore>, window_params = [{transform_indices = #map}, {transform_indices = #map}, {transform_indices = #map1}, {transform_indices = #map1}]} {
    %mul3A = arith.constant 2 : i32
    %mul3A_0 = arith.muli %arg1, %mul3A : i32
    %add3A = arith.addi %mul3A_0, %arg0 : i32
    %mul3A_1 = arith.constant 17464 : i32
    %mul3A_2 = arith.muli %add3A, %mul3A_1 : i32
    %multiple_of3A = tpu.assume_multiple %mul3A_2, 8 : i32
    "tpu.region"() ({
      %run_scoped3A = tpu.sem_alloc : memref<!tpu.dma_semaphore, #tpu.memory_space<semaphore_mem>>
      %dma_start3A = tpu.memref_slice %arg2[%multiple_of3A] : memref<558848xf32, #tpu.memory_space<hbm>> -> memref<17464xf32, #tpu.memory_space<hbm>>
      %dma_start3A_37 = tpu.memref_slice %arg2[%multiple_of3A] : memref<558848xf32, #tpu.memory_space<hbm>> -> memref<17464xf32, #tpu.memory_space<hbm>>
      tpu.enqueue_dma source(%dma_start3A_37 : memref<17464xf32, #tpu.memory_space<hbm>>) target(%arg6 : memref<17464xf32, #tpu.memory_space<vmem>>) target_semaphore(%run_scoped3A : memref<!tpu.dma_semaphore, #tpu.memory_space<semaphore_mem>>)
      %dma_wait3A = tpu.memref_slice %arg2[%multiple_of3A] : memref<558848xf32, #tpu.memory_space<hbm>> -> memref<17464xf32, #tpu.memory_space<hbm>>
      %dma_wait3A_38 = tpu.memref_slice %arg2[%multiple_of3A] : memref<558848xf32, #tpu.memory_space<hbm>> -> memref<17464xf32, #tpu.memory_space<hbm>>
      tpu.wait_dma2 semaphore(%run_scoped3A : memref<!tpu.dma_semaphore, #tpu.memory_space<semaphore_mem>>) src(%dma_wait3A_38 : memref<17464xf32, #tpu.memory_space<hbm>>) dst(%arg6 : memref<17464xf32, #tpu.memory_space<vmem>>)
      tpu.yield
    }) : () -> ()
    "tpu.region"() ({
      %run_scoped3A = tpu.sem_alloc : memref<!tpu.dma_semaphore, #tpu.memory_space<semaphore_mem>>
      %dma_start3A = tpu.memref_slice %arg3[%multiple_of3A] : memref<558848xf32, #tpu.memory_space<hbm>> -> memref<17464xf32, #tpu.memory_space<hbm>>
      %dma_start3A_37 = tpu.memref_slice %arg3[%multiple_of3A] : memref<558848xf32, #tpu.memory_space<hbm>> -> memref<17464xf32, #tpu.memory_space<hbm>>
      tpu.enqueue_dma source(%dma_start3A_37 : memref<17464xf32, #tpu.memory_space<hbm>>) target(%arg7 : memref<17464xf32, #tpu.memory_space<vmem>>) target_semaphore(%run_scoped3A : memref<!tpu.dma_semaphore, #tpu.memory_space<semaphore_mem>>)
      %dma_wait3A = tpu.memref_slice %arg3[%multiple_of3A] : memref<558848xf32, #tpu.memory_space<hbm>> -> memref<17464xf32, #tpu.memory_space<hbm>>
      %dma_wait3A_38 = tpu.memref_slice %arg3[%multiple_of3A] : memref<558848xf32, #tpu.memory_space<hbm>> -> memref<17464xf32, #tpu.memory_space<hbm>>
      tpu.wait_dma2 semaphore(%run_scoped3A : memref<!tpu.dma_semaphore, #tpu.memory_space<semaphore_mem>>) src(%dma_wait3A_38 : memref<17464xf32, #tpu.memory_space<hbm>>) dst(%arg7 : memref<17464xf32, #tpu.memory_space<vmem>>)
      tpu.yield
    }) : () -> ()
    %broadcast_in_dim3A = arith.constant 0.000000e+00 : f32
    %broadcast_in_dim3A_3 = vector.broadcast %broadcast_in_dim3A : f32 to vector<16xf32>
    %broadcast_in_dim3A_4 = arith.constant 1.000000e+00 : f32
    %broadcast_in_dim3A_5 = vector.broadcast %broadcast_in_dim3A_4 : f32 to vector<16xf32>
    %iota3A = tpu.iota {dimensions = array<i32: 0>} : vector<16xi32>
    %mul3A_6 = arith.constant 2048 : i32
    %mul3A_7 = vector.broadcast %mul3A_6 : i32 to vector<16xi32>
    %mul3A_8 = arith.muli %iota3A, %mul3A_7 : vector<16xi32>
    %ge3A = arith.constant 0 : i32
    %ge3A_9 = vector.broadcast %ge3A : i32 to vector<16xi32>
    %ge3A_10 = arith.cmpi sge, %iota3A, %ge3A_9 : vector<16xi32>
    %scan3A = arith.constant 0 : i32
    %scan3A_11 = arith.constant 0 : i32
    %scan3A_12 = arith.constant 2048 : i32
    %scan3A_13 = arith.addi %scan3A_11, %scan3A_12 : i32
    %scan3A_14 = arith.constant 1 : i32
    %scan3A_15 = scf.for %scan3A_37 = %scan3A_11 to %scan3A_13 step %scan3A_14 iter_args(%scan3A_38 = %scan3A) -> (i32)  : i32 {
      %mul3A_39 = arith.constant 16 : i32
      %mul3A_40 = arith.muli %scan3A_37, %mul3A_39 : i32
      %swap3A = arith.index_cast %mul3A_40 : i32 to index
      %swap3A_41 = tpu.vector_load %arg8[%swap3A] {strides = array<i32>} : memref<32768xf32, #tpu.memory_space<vmem>>, vector<16xf32>,
      tpu.vector_store %arg8[%swap3A], %broadcast_in_dim3A_3 {strides = array<i32>} : memref<32768xf32, #tpu.memory_space<vmem>>, vector<16xf32>,
      %mul3A_42 = arith.constant 16 : i32
      %mul3A_43 = arith.muli %scan3A_37, %mul3A_42 : i32
      %swap3A_44 = arith.index_cast %mul3A_43 : i32 to index
      %swap3A_45 = tpu.vector_load %arg9[%swap3A_44] {strides = array<i32>} : memref<32768xf32, #tpu.memory_space<vmem>>, vector<16xf32>,
      tpu.vector_store %arg9[%swap3A_44], %broadcast_in_dim3A_3 {strides = array<i32>} : memref<32768xf32, #tpu.memory_space<vmem>>, vector<16xf32>,
      %scan3A_46 = arith.constant 0 : i32
      scf.yield %scan3A_46 : i32
    }
    %scan3A_16 = arith.constant 2048 : i32
    %scan3A_17 = arith.constant 0 : i32
    %scan3A_18 = arith.constant 0 : i32
    %scan3A_19 = arith.constant 1091 : i32
    %scan3A_20 = arith.addi %scan3A_18, %scan3A_19 : i32
    %scan3A_21 = arith.constant 1 : i32
    %scan3A_22 = scf.for %scan3A_37 = %scan3A_18 to %scan3A_20 step %scan3A_21 iter_args(%scan3A_38 = %scan3A_17) -> (i32)  : i32 {
      %mul3A_39 = arith.constant 16 : i32
      %mul3A_40 = arith.muli %scan3A_37, %mul3A_39 : i32
      %get3A_41 = arith.index_cast %mul3A_40 : i32 to index
      %get3A_42 = tpu.vector_load %arg6[%get3A_41] {strides = array<i32>} : memref<17464xf32, #tpu.memory_space<vmem>>, vector<16xf32>,
      %mul3A_43 = arith.constant 16 : i32
      %mul3A_44 = arith.muli %scan3A_37, %mul3A_43 : i32
      %get3A_45 = arith.index_cast %mul3A_44 : i32 to index
      %get3A_46 = tpu.vector_load %arg7[%get3A_45] {strides = array<i32>} : memref<17464xf32, #tpu.memory_space<vmem>>, vector<16xf32>,
      %mul3A_47 = arith.constant 2.048000e+03 : f32
      %mul3A_48 = vector.broadcast %mul3A_47 : f32 to vector<16xf32>
      %mul3A_49 = arith.mulf %get3A_42, %mul3A_48 : vector<16xf32>
      %convert_element_type3A_50 = arith.fptosi %mul3A_49 : vector<16xf32> to vector<16xi32>
      %jit3A_51 = arith.constant 0 : i32
      %jit3A_52 = arith.constant 2047 : i32
      %max3A_53 = vector.broadcast %jit3A_51 : i32 to vector<16xi32>
      %max3A_54 = arith.maxsi %max3A_53, %convert_element_type3A_50 : vector<16xi32>
      %min3A_55 = vector.broadcast %jit3A_52 : i32 to vector<16xi32>
      %min3A_56 = arith.minsi %min3A_55, %max3A_54 : vector<16xi32>
      %add3A_57 = arith.addi %mul3A_8, %min3A_56 : vector<16xi32>
      tpu.vector_store_idx %arg8[%add3A_57], %broadcast_in_dim3A_5 masked %ge3A_10 {add = true} : memref<32768xf32, #tpu.memory_space<vmem>>[vector<16xi32>], vector<16xf32>, vector<16xi1>
      tpu.vector_store_idx %arg9[%add3A_57], %get3A_46 masked %ge3A_10 {add = true} : memref<32768xf32, #tpu.memory_space<vmem>>[vector<16xi32>], vector<16xf32>, vector<16xi1>
      %scan3A_58 = arith.constant 0 : i32
      scf.yield %scan3A_58 : i32
    }
    %scan3A_23 = arith.constant 1091 : i32
    %get3A = arith.constant 17448 : index
    %get3A_24 = tpu.vector_load %arg6[%get3A] {strides = array<i32>} : memref<17464xf32, #tpu.memory_space<vmem>>, vector<16xf32>,
    %get3A_25 = arith.constant 17448 : index
    %get3A_26 = tpu.vector_load %arg7[%get3A_25] {strides = array<i32>} : memref<17464xf32, #tpu.memory_space<vmem>>, vector<16xf32>,
    %mul3A_27 = arith.constant 2.048000e+03 : f32
    %mul3A_28 = vector.broadcast %mul3A_27 : f32 to vector<16xf32>
    %mul3A_29 = arith.mulf %get3A_24, %mul3A_28 : vector<16xf32>
    %convert_element_type3A = arith.fptosi %mul3A_29 : vector<16xf32> to vector<16xi32>
    %jit3A = arith.constant 0 : i32
    %jit3A_30 = arith.constant 2047 : i32
    %max3A = vector.broadcast %jit3A : i32 to vector<16xi32>
    %max3A_31 = arith.maxsi %max3A, %convert_element_type3A : vector<16xi32>
    %min3A = vector.broadcast %jit3A_30 : i32 to vector<16xi32>
    %min3A_32 = arith.minsi %min3A, %max3A_31 : vector<16xi32>
    %add3A_33 = arith.addi %mul3A_8, %min3A_32 : vector<16xi32>
    %ge3A_34 = arith.constant 8 : i32
    %ge3A_35 = vector.broadcast %ge3A_34 : i32 to vector<16xi32>
    %ge3A_36 = arith.cmpi sge, %iota3A, %ge3A_35 : vector<16xi32>
    tpu.vector_store_idx %arg8[%add3A_33], %broadcast_in_dim3A_5 masked %ge3A_36 {add = true} : memref<32768xf32, #tpu.memory_space<vmem>>[vector<16xi32>], vector<16xf32>, vector<16xi1>
    tpu.vector_store_idx %arg9[%add3A_33], %get3A_26 masked %ge3A_36 {add = true} : memref<32768xf32, #tpu.memory_space<vmem>>[vector<16xi32>], vector<16xf32>, vector<16xi1>
    "tpu.region"() ({
      %run_scoped3A = tpu.sem_alloc : memref<!tpu.dma_semaphore, #tpu.memory_space<semaphore_mem>>
      %dma_start3A = arith.constant 0 : i32
      %dma_start3A_37 = tpu.memref_slice %arg4[%add3A, %dma_start3A] : memref<32x32768xf32, #tpu.memory_space<hbm>> -> memref<1x32768xf32, #tpu.memory_space<hbm>>
      %dma_start3A_38 = tpu.memref_squeeze %dma_start3A_37 : memref<1x32768xf32, #tpu.memory_space<hbm>> -> memref<32768xf32, #tpu.memory_space<hbm>>
      %dma_start3A_39 = arith.constant 0 : i32
      %dma_start3A_40 = tpu.memref_slice %arg4[%add3A, %dma_start3A_39] : memref<32x32768xf32, #tpu.memory_space<hbm>> -> memref<1x32768xf32, #tpu.memory_space<hbm>>
      %dma_start3A_41 = tpu.memref_squeeze %dma_start3A_40 : memref<1x32768xf32, #tpu.memory_space<hbm>> -> memref<32768xf32, #tpu.memory_space<hbm>>
      tpu.enqueue_dma source(%arg8 : memref<32768xf32, #tpu.memory_space<vmem>>) target(%dma_start3A_41 : memref<32768xf32, #tpu.memory_space<hbm>>) target_semaphore(%run_scoped3A : memref<!tpu.dma_semaphore, #tpu.memory_space<semaphore_mem>>)
      %dma_wait3A = arith.constant 0 : i32
      %dma_wait3A_42 = tpu.memref_slice %arg4[%add3A, %dma_wait3A] : memref<32x32768xf32, #tpu.memory_space<hbm>> -> memref<1x32768xf32, #tpu.memory_space<hbm>>
      %dma_wait3A_43 = tpu.memref_squeeze %dma_wait3A_42 : memref<1x32768xf32, #tpu.memory_space<hbm>> -> memref<32768xf32, #tpu.memory_space<hbm>>
      %dma_wait3A_44 = arith.constant 0 : i32
      %dma_wait3A_45 = tpu.memref_slice %arg4[%add3A, %dma_wait3A_44] : memref<32x32768xf32, #tpu.memory_space<hbm>> -> memref<1x32768xf32, #tpu.memory_space<hbm>>
      %dma_wait3A_46 = tpu.memref_squeeze %dma_wait3A_45 : memref<1x32768xf32, #tpu.memory_space<hbm>> -> memref<32768xf32, #tpu.memory_space<hbm>>
      tpu.wait_dma2 semaphore(%run_scoped3A : memref<!tpu.dma_semaphore, #tpu.memory_space<semaphore_mem>>) src(%arg8 : memref<32768xf32, #tpu.memory_space<vmem>>) dst(%dma_wait3A_46 : memref<32768xf32, #tpu.memory_space<hbm>>)
      tpu.yield
    }) : () -> ()
    "tpu.region"() ({
      %run_scoped3A = tpu.sem_alloc : memref<!tpu.dma_semaphore, #tpu.memory_space<semaphore_mem>>
      %dma_start3A = arith.constant 0 : i32
      %dma_start3A_37 = tpu.memref_slice %arg5[%add3A, %dma_start3A] : memref<32x32768xf32, #tpu.memory_space<hbm>> -> memref<1x32768xf32, #tpu.memory_space<hbm>>
      %dma_start3A_38 = tpu.memref_squeeze %dma_start3A_37 : memref<1x32768xf32, #tpu.memory_space<hbm>> -> memref<32768xf32, #tpu.memory_space<hbm>>
      %dma_start3A_39 = arith.constant 0 : i32
      %dma_start3A_40 = tpu.memref_slice %arg5[%add3A, %dma_start3A_39] : memref<32x32768xf32, #tpu.memory_space<hbm>> -> memref<1x32768xf32, #tpu.memory_space<hbm>>
      %dma_start3A_41 = tpu.memref_squeeze %dma_start3A_40 : memref<1x32768xf32, #tpu.memory_space<hbm>> -> memref<32768xf32, #tpu.memory_space<hbm>>
      tpu.enqueue_dma source(%arg9 : memref<32768xf32, #tpu.memory_space<vmem>>) target(%dma_start3A_41 : memref<32768xf32, #tpu.memory_space<hbm>>) target_semaphore(%run_scoped3A : memref<!tpu.dma_semaphore, #tpu.memory_space<semaphore_mem>>)
      %dma_wait3A = arith.constant 0 : i32
      %dma_wait3A_42 = tpu.memref_slice %arg5[%add3A, %dma_wait3A] : memref<32x32768xf32, #tpu.memory_space<hbm>> -> memref<1x32768xf32, #tpu.memory_space<hbm>>
      %dma_wait3A_43 = tpu.memref_squeeze %dma_wait3A_42 : memref<1x32768xf32, #tpu.memory_space<hbm>> -> memref<32768xf32, #tpu.memory_space<hbm>>
      %dma_wait3A_44 = arith.constant 0 : i32
      %dma_wait3A_45 = tpu.memref_slice %arg5[%add3A, %dma_wait3A_44] : memref<32x32768xf32, #tpu.memory_space<hbm>> -> memref<1x32768xf32, #tpu.memory_space<hbm>>
      %dma_wait3A_46 = tpu.memref_squeeze %dma_wait3A_45 : memref<1x32768xf32, #tpu.memory_space<hbm>> -> memref<32768xf32, #tpu.memory_space<hbm>>
      tpu.wait_dma2 semaphore(%run_scoped3A : memref<!tpu.dma_semaphore, #tpu.memory_space<semaphore_mem>>) src(%arg9 : memref<32768xf32, #tpu.memory_space<vmem>>) dst(%dma_wait3A_46 : memref<32768xf32, #tpu.memory_space<hbm>>)
      tpu.yield
    }) : () -> ()
    return
  }
}

module attributes {stable_mosaic.version = 14 : i64} {
  func.func @_k1_body(%arg0: i32, %arg1: i32, %arg2: memref<1x1x2183x26xf32, #tpu.memory_space<vmem>>, %arg3: memref<1x1x2183x4xf32, #tpu.memory_space<vmem>>, %arg4: memref<1x1x2183x21xf32, #tpu.memory_space<vmem>>, %arg5: memref<1x2183x1xf32, #tpu.memory_space<vmem>>, %arg6: memref<1x2183x1xf32, #tpu.memory_space<vmem>>, %arg7: memref<1x1x1x1xf32, #tpu.memory_space<smem>>, %arg8: memref<1x1x1x1xf32, #tpu.memory_space<smem>>, %arg9: memref<1x1x1x1xf32, #tpu.memory_space<smem>>) attributes {dimension_semantics = [#tpu.dimension_semantics<parallel>, #tpu.dimension_semantics<parallel>], iteration_bounds = array<i64: 64, 4>, scalar_prefetch = 0 : i64, scratch_operands = 0 : i64, tpu.core_type = #tpu.core_type<tc>, window_params = [{transform_indices = @transform_0, window_bounds = array<i64: 1, 1, 2183, 26>}, {transform_indices = @transform_1, window_bounds = array<i64: 1, 1, 2183, 4>}, {transform_indices = @transform_2, window_bounds = array<i64: 1, 1, 2183, 21>}, {transform_indices = @transform_3, window_bounds = array<i64: 1, 2183, 1>}, {transform_indices = @transform_4, window_bounds = array<i64: 1, 2183, 1>}, {transform_indices = @transform_5, window_bounds = array<i64: 1, 1, 1, 1>}, {transform_indices = @transform_6, window_bounds = array<i64: 1, 1, 1, 1>}, {transform_indices = @transform_7, window_bounds = array<i64: 1, 1, 1, 1>}]} {
    %get3A = arith.constant 0 : index
    %get3A_0 = arith.constant 0 : index
    %get3A_1 = arith.constant 0 : index
    %get3A_2 = arith.constant 0 : index
    %get3A_3 = vector.load %arg2[%get3A, %get3A_0, %get3A_1, %get3A_2] : memref<1x1x2183x26xf32, #tpu.memory_space<vmem>>, vector<1x1x2183x26xf32>
    %get3A_4 = vector.shape_cast %get3A_3 : vector<1x1x2183x26xf32> to vector<2183x26xf32>
    %get3A_5 = arith.constant 0 : index
    %get3A_6 = arith.constant 0 : index
    %get3A_7 = arith.constant 0 : index
    %get3A_8 = arith.constant 0 : index
    %get3A_9 = vector.load %arg3[%get3A_5, %get3A_6, %get3A_7, %get3A_8] : memref<1x1x2183x4xf32, #tpu.memory_space<vmem>>, vector<1x1x2183x4xf32>
    %get3A_10 = vector.shape_cast %get3A_9 : vector<1x1x2183x4xf32> to vector<2183x4xf32>
    %get3A_11 = arith.constant 0 : index
    %get3A_12 = arith.constant 0 : index
    %get3A_13 = arith.constant 0 : index
    %get3A_14 = arith.constant 0 : index
    %get3A_15 = vector.load %arg4[%get3A_11, %get3A_12, %get3A_13, %get3A_14] : memref<1x1x2183x21xf32, #tpu.memory_space<vmem>>, vector<1x1x2183x21xf32>
    %get3A_16 = vector.shape_cast %get3A_15 : vector<1x1x2183x21xf32> to vector<2183x21xf32>
    %exp3A = math.exp %get3A_16 : vector<2183x21xf32>
    %reduce_sum3A = arith.constant dense<0.000000e+00> : vector<2183xf32>
    %reduce_sum3A_17 = vector.multi_reduction <add>, %exp3A, %reduce_sum3A [1] : vector<2183x21xf32> to vector<2183xf32>
    %broadcast_in_dim3A = vector.shape_cast %reduce_sum3A_17 : vector<2183xf32> to vector<2183x1xf32>
    %log3A = math.log %broadcast_in_dim3A : vector<2183x1xf32>
    %sub3A = vector.broadcast %log3A : vector<2183x1xf32> to vector<2183x21xf32>
    %sub3A_18 = arith.subf %get3A_16, %sub3A : vector<2183x21xf32>
    %max3A = arith.constant -16.1180954 : f32
    %max3A_19 = vector.broadcast %max3A : f32 to vector<2183x21xf32>
    %max3A_20 = arith.maximumf %sub3A_18, %max3A_19 : vector<2183x21xf32>
    %slice3A = vector.extract_strided_slice %get3A_4 {offsets = [0, 4], sizes = [2183, 21], strides = [1, 1]} : vector<2183x26xf32> to vector<2183x21xf32>
    %mul3A = arith.mulf %slice3A, %max3A_20 : vector<2183x21xf32>
    %reduce_sum3A_21 = arith.constant dense<0.000000e+00> : vector<2183xf32>
    %reduce_sum3A_22 = vector.multi_reduction <add>, %mul3A, %reduce_sum3A_21 [1] : vector<2183x21xf32> to vector<2183xf32>
    %broadcast_in_dim3A_23 = vector.shape_cast %reduce_sum3A_22 : vector<2183xf32> to vector<2183x1xf32>
    %neg3A = arith.constant 0.000000e+00 : f32
    %neg3A_24 = vector.broadcast %neg3A : f32 to vector<2183x1xf32>
    %neg3A_25 = arith.subf %neg3A_24, %broadcast_in_dim3A_23 : vector<2183x1xf32>
    %slice3A_26 = vector.extract_strided_slice %get3A_4 {offsets = [0, 0], sizes = [2183, 4], strides = [1, 1]} : vector<2183x26xf32> to vector<2183x4xf32>
    %sub3A_27 = arith.subf %slice3A_26, %get3A_10 : vector<2183x4xf32>
    %abs3A = math.absf %sub3A_27 : vector<2183x4xf32>
    %lt3A = arith.constant 1.000000e+00 : f32
    %lt3A_28 = vector.broadcast %lt3A : f32 to vector<2183x4xf32>
    %lt3A_29 = arith.cmpf olt, %abs3A, %lt3A_28 : vector<2183x4xf32>
    %mul3A_30 = arith.constant 5.000000e-01 : f32
    %mul3A_31 = vector.broadcast %mul3A_30 : f32 to vector<2183x4xf32>
    %mul3A_32 = arith.mulf %mul3A_31, %sub3A_27 : vector<2183x4xf32>
    %mul3A_33 = arith.mulf %mul3A_32, %sub3A_27 : vector<2183x4xf32>
    %sub3A_34 = arith.constant 5.000000e-01 : f32
    %sub3A_35 = vector.broadcast %sub3A_34 : f32 to vector<2183x4xf32>
    %sub3A_36 = arith.subf %abs3A, %sub3A_35 : vector<2183x4xf32>
    %select_n3A = arith.select %lt3A_29, %mul3A_33, %sub3A_36 : vector<2183x4xi1>, vector<2183x4xf32>
    %reduce_sum3A_37 = arith.constant dense<0.000000e+00> : vector<2183xf32>
    %reduce_sum3A_38 = vector.multi_reduction <add>, %select_n3A, %reduce_sum3A_37 [1] : vector<2183x4xf32> to vector<2183xf32>
    %broadcast_in_dim3A_39 = vector.shape_cast %reduce_sum3A_38 : vector<2183xf32> to vector<2183x1xf32>
    %slice3A_40 = vector.extract_strided_slice %get3A_4 {offsets = [0, 25], sizes = [2183, 1], strides = [1, 1]} : vector<2183x26xf32> to vector<2183x1xf32>
    %slice3A_41 = vector.extract_strided_slice %exp3A {offsets = [0, 1], sizes = [2183, 20], strides = [1, 1]} : vector<2183x21xf32> to vector<2183x20xf32>
    %reduce_sum3A_42 = arith.constant dense<0.000000e+00> : vector<2183xf32>
    %reduce_sum3A_43 = vector.multi_reduction <add>, %slice3A_41, %reduce_sum3A_42 [1] : vector<2183x20xf32> to vector<2183xf32>
    %broadcast_in_dim3A_44 = vector.shape_cast %reduce_sum3A_43 : vector<2183xf32> to vector<2183x1xf32>
    %div3A = arith.divf %broadcast_in_dim3A_44, %broadcast_in_dim3A : vector<2183x1xf32>
    %sub3A_45 = arith.constant 1.000000e+00 : f32
    %sub3A_46 = vector.broadcast %sub3A_45 : f32 to vector<2183x1xf32>
    %sub3A_47 = arith.subf %sub3A_46, %slice3A_40 : vector<2183x1xf32>
    %mul3A_48 = arith.mulf %sub3A_47, %div3A : vector<2183x1xf32>
    %swap3A = arith.constant 0 : index
    %swap3A_49 = arith.constant 0 : index
    %swap3A_50 = arith.constant 0 : index
    %swap3A_51 = vector.load %arg5[%swap3A, %swap3A_49, %swap3A_50] : memref<1x2183x1xf32, #tpu.memory_space<vmem>>, vector<1x2183x1xf32>
    %swap3A_52 = vector.shape_cast %swap3A_51 : vector<1x2183x1xf32> to vector<2183x1xf32>
    %swap3A_53 = vector.shape_cast %mul3A_48 : vector<2183x1xf32> to vector<1x2183x1xf32>
    tpu.vector_store %arg5[%swap3A, %swap3A_49, %swap3A_50], %swap3A_53 {strides = array<i32>} : memref<1x2183x1xf32, #tpu.memory_space<vmem>>, vector<1x2183x1xf32>,
    %swap3A_54 = arith.constant 0 : index
    %swap3A_55 = arith.constant 0 : index
    %swap3A_56 = arith.constant 0 : index
    %swap3A_57 = vector.load %arg6[%swap3A_54, %swap3A_55, %swap3A_56] : memref<1x2183x1xf32, #tpu.memory_space<vmem>>, vector<1x2183x1xf32>
    %swap3A_58 = vector.shape_cast %swap3A_57 : vector<1x2183x1xf32> to vector<2183x1xf32>
    %swap3A_59 = vector.shape_cast %neg3A_25 : vector<2183x1xf32> to vector<1x2183x1xf32>
    tpu.vector_store %arg6[%swap3A_54, %swap3A_55, %swap3A_56], %swap3A_59 {strides = array<i32>} : memref<1x2183x1xf32, #tpu.memory_space<vmem>>, vector<1x2183x1xf32>,
    %reduce_sum3A_60 = vector.shape_cast %slice3A_40 : vector<2183x1xf32> to vector<1x2183x1xf32>
    %reduce_sum3A_61 = arith.constant dense<0.000000e+00> : vector<1xf32>
    %reduce_sum3A_62 = vector.multi_reduction <add>, %reduce_sum3A_60, %reduce_sum3A_61 [1, 2] : vector<1x2183x1xf32> to vector<1xf32>
    %reduce_sum3A_63 = vector.shape_cast %reduce_sum3A_62 : vector<1xf32> to vector<1x1x1xf32>
    %reduce_sum3A_64 = vector.extract %reduce_sum3A_63[0, 0, 0] : f32 from vector<1x1x1xf32>
    %swap3A_65 = arith.constant 0 : index
    %swap3A_66 = arith.constant 0 : index
    %swap3A_67 = arith.constant 0 : index
    %swap3A_68 = arith.constant 0 : index
    %swap3A_69 = memref.load %arg7[%swap3A_65, %swap3A_66, %swap3A_67, %swap3A_68] : memref<1x1x1x1xf32, #tpu.memory_space<smem>>
    memref.store %reduce_sum3A_64, %arg7[%swap3A_65, %swap3A_66, %swap3A_67, %swap3A_68] : memref<1x1x1x1xf32, #tpu.memory_space<smem>>
    %mul3A_70 = arith.mulf %slice3A_40, %neg3A_25 : vector<2183x1xf32>
    %reduce_sum3A_71 = vector.shape_cast %mul3A_70 : vector<2183x1xf32> to vector<1x2183x1xf32>
    %reduce_sum3A_72 = arith.constant dense<0.000000e+00> : vector<1xf32>
    %reduce_sum3A_73 = vector.multi_reduction <add>, %reduce_sum3A_71, %reduce_sum3A_72 [1, 2] : vector<1x2183x1xf32> to vector<1xf32>
    %reduce_sum3A_74 = vector.shape_cast %reduce_sum3A_73 : vector<1xf32> to vector<1x1x1xf32>
    %reduce_sum3A_75 = vector.extract %reduce_sum3A_74[0, 0, 0] : f32 from vector<1x1x1xf32>
    %swap3A_76 = arith.constant 0 : index
    %swap3A_77 = arith.constant 0 : index
    %swap3A_78 = arith.constant 0 : index
    %swap3A_79 = arith.constant 0 : index
    %swap3A_80 = memref.load %arg8[%swap3A_76, %swap3A_77, %swap3A_78, %swap3A_79] : memref<1x1x1x1xf32, #tpu.memory_space<smem>>
    memref.store %reduce_sum3A_75, %arg8[%swap3A_76, %swap3A_77, %swap3A_78, %swap3A_79] : memref<1x1x1x1xf32, #tpu.memory_space<smem>>
    %mul3A_81 = arith.mulf %slice3A_40, %broadcast_in_dim3A_39 : vector<2183x1xf32>
    %reduce_sum3A_82 = vector.shape_cast %mul3A_81 : vector<2183x1xf32> to vector<1x2183x1xf32>
    %reduce_sum3A_83 = arith.constant dense<0.000000e+00> : vector<1xf32>
    %reduce_sum3A_84 = vector.multi_reduction <add>, %reduce_sum3A_82, %reduce_sum3A_83 [1, 2] : vector<1x2183x1xf32> to vector<1xf32>
    %reduce_sum3A_85 = vector.shape_cast %reduce_sum3A_84 : vector<1xf32> to vector<1x1x1xf32>
    %reduce_sum3A_86 = vector.extract %reduce_sum3A_85[0, 0, 0] : f32 from vector<1x1x1xf32>
    %swap3A_87 = arith.constant 0 : index
    %swap3A_88 = arith.constant 0 : index
    %swap3A_89 = arith.constant 0 : index
    %swap3A_90 = arith.constant 0 : index
    %swap3A_91 = memref.load %arg9[%swap3A_87, %swap3A_88, %swap3A_89, %swap3A_90] : memref<1x1x1x1xf32, #tpu.memory_space<smem>>
    memref.store %reduce_sum3A_86, %arg9[%swap3A_87, %swap3A_88, %swap3A_89, %swap3A_90] : memref<1x1x1x1xf32, #tpu.memory_space<smem>>
    return
  }
  func.func @transform_0(%arg0: i32, %arg1: i32) -> (i32, i32, i32, i32) {
    %c0_i32 = arith.constant 0 : i32
    %c0_i32_0 = arith.constant 0 : i32
    %c0_i32_1 = arith.constant 0 : i32
    return %arg0, %arg1, %c0_i32, %c0_i32_0 : i32, i32, i32, i32
  }
  func.func @transform_1(%arg0: i32, %arg1: i32) -> (i32, i32, i32, i32) {
    %c0_i32 = arith.constant 0 : i32
    %c0_i32_0 = arith.constant 0 : i32
    %c0_i32_1 = arith.constant 0 : i32
    return %arg0, %arg1, %c0_i32, %c0_i32_0 : i32, i32, i32, i32
  }
  func.func @transform_2(%arg0: i32, %arg1: i32) -> (i32, i32, i32, i32) {
    %c0_i32 = arith.constant 0 : i32
    %c0_i32_0 = arith.constant 0 : i32
    %c0_i32_1 = arith.constant 0 : i32
    return %arg0, %arg1, %c0_i32, %c0_i32_0 : i32, i32, i32, i32
  }
  func.func @transform_3(%arg0: i32, %arg1: i32) -> (i32, i32, i32) {
    %mul3A = arith.constant 4 : i32
    %mul3A_0 = arith.muli %arg0, %mul3A : i32
    %add3A = arith.addi %mul3A_0, %arg1 : i32
    %c0_i32 = arith.constant 0 : i32
    %c0_i32_1 = arith.constant 0 : i32
    %c0_i32_2 = arith.constant 0 : i32
    return %add3A, %c0_i32, %c0_i32_1 : i32, i32, i32
  }
  func.func @transform_4(%arg0: i32, %arg1: i32) -> (i32, i32, i32) {
    %mul3A = arith.constant 4 : i32
    %mul3A_0 = arith.muli %arg0, %mul3A : i32
    %add3A = arith.addi %mul3A_0, %arg1 : i32
    %c0_i32 = arith.constant 0 : i32
    %c0_i32_1 = arith.constant 0 : i32
    %c0_i32_2 = arith.constant 0 : i32
    return %add3A, %c0_i32, %c0_i32_1 : i32, i32, i32
  }
  func.func @transform_5(%arg0: i32, %arg1: i32) -> (i32, i32, i32, i32) {
    %c0_i32 = arith.constant 0 : i32
    %c0_i32_0 = arith.constant 0 : i32
    %c0_i32_1 = arith.constant 0 : i32
    return %arg0, %arg1, %c0_i32, %c0_i32_0 : i32, i32, i32, i32
  }
  func.func @transform_6(%arg0: i32, %arg1: i32) -> (i32, i32, i32, i32) {
    %c0_i32 = arith.constant 0 : i32
    %c0_i32_0 = arith.constant 0 : i32
    %c0_i32_1 = arith.constant 0 : i32
    return %arg0, %arg1, %c0_i32, %c0_i32_0 : i32, i32, i32, i32
  }
  func.func @transform_7(%arg0: i32, %arg1: i32) -> (i32, i32, i32, i32) {
    %c0_i32 = arith.constant 0 : i32
    %c0_i32_0 = arith.constant 0 : i32
    %c0_i32_1 = arith.constant 0 : i32
    return %arg0, %arg1, %c0_i32, %c0_i32_0 : i32, i32, i32, i32
  }
}

module attributes {stable_mosaic.version = 14 : i64} {
  func.func @_k3_body(%arg0: memref<512x2048xf32, #tpu.memory_space<vmem>>, %arg1: memref<512x2048xf32, #tpu.memory_space<vmem>>, %arg2: memref<64x4xf32, #tpu.memory_space<vmem>>, %arg3: memref<64x4xf32, #tpu.memory_space<vmem>>, %arg4: memref<64x4xf32, #tpu.memory_space<vmem>>, %arg5: memref<1x1xf32, #tpu.memory_space<smem>>) attributes {dimension_semantics = [], scalar_prefetch = 0 : i64, scratch_operands = 0 : i64, tpu.core_type = #tpu.core_type<tc>} {
    %get3A = arith.constant 0 : index
    %get3A_0 = arith.constant 0 : index
    %get3A_1 = vector.load %arg0[%get3A, %get3A_0] : memref<512x2048xf32, #tpu.memory_space<vmem>>, vector<512x2048xf32>
    %reduce_sum3A = arith.constant dense<0.000000e+00> : vector<2048xf32>
    %reduce_sum3A_2 = vector.multi_reduction <add>, %get3A_1, %reduce_sum3A [0] : vector<512x2048xf32> to vector<2048xf32>
    %broadcast_in_dim3A = vector.shape_cast %reduce_sum3A_2 : vector<2048xf32> to vector<1x2048xf32>
    %get3A_3 = arith.constant 0 : index
    %get3A_4 = arith.constant 0 : index
    %get3A_5 = vector.load %arg1[%get3A_3, %get3A_4] : memref<512x2048xf32, #tpu.memory_space<vmem>>, vector<512x2048xf32>
    %reduce_sum3A_6 = arith.constant dense<0.000000e+00> : vector<2048xf32>
    %reduce_sum3A_7 = vector.multi_reduction <add>, %get3A_5, %reduce_sum3A_6 [0] : vector<512x2048xf32> to vector<2048xf32>
    %broadcast_in_dim3A_8 = vector.shape_cast %reduce_sum3A_7 : vector<2048xf32> to vector<1x2048xf32>
    %iota3A = tpu.iota {dimensions = array<i32: 1>} : vector<1x2048xi32>
    %get3A_9 = arith.constant 0 : index
    %get3A_10 = arith.constant 0 : index
    %get3A_11 = vector.load %arg2[%get3A_9, %get3A_10] : memref<64x4xf32, #tpu.memory_space<vmem>>, vector<64x4xf32>
    %reduce_sum3A_12 = arith.constant dense<0.000000e+00> : vector<64xf32>
    %reduce_sum3A_13 = vector.multi_reduction <add>, %get3A_11, %reduce_sum3A_12 [1] : vector<64x4xf32> to vector<64xf32>
    %mul3A = arith.constant 3.000000e+00 : f32
    %mul3A_14 = vector.broadcast %mul3A : f32 to vector<64xf32>
    %mul3A_15 = arith.mulf %mul3A_14, %reduce_sum3A_13 : vector<64xf32>
    %sub3A = arith.constant 8.732000e+03 : f32
    %sub3A_16 = vector.broadcast %sub3A : f32 to vector<64xf32>
    %sub3A_17 = arith.subf %sub3A_16, %reduce_sum3A_13 : vector<64xf32>
    %min3A = arith.minimumf %mul3A_15, %sub3A_17 : vector<64xf32>
    %gt3A = arith.constant 0.000000e+00 : f32
    %gt3A_18 = vector.broadcast %gt3A : f32 to vector<64xf32>
    %gt3A_19 = arith.cmpf ogt, %reduce_sum3A_13, %gt3A_18 : vector<64xf32>
    %convert_element_type3A = arith.extui %gt3A_19 : vector<64xi1> to vector<64xi32>
    %convert_element_type3A_20 = arith.sitofp %convert_element_type3A : vector<64xi32> to vector<64xf32>
    %reduce_sum3A_21 = vector.shape_cast %convert_element_type3A_20 : vector<64xf32> to vector<1x64xf32>
    %reduce_sum3A_22 = arith.constant dense<0.000000e+00> : vector<1xf32>
    %reduce_sum3A_23 = vector.multi_reduction <add>, %reduce_sum3A_21, %reduce_sum3A_22 [1] : vector<1x64xf32> to vector<1xf32>
    %reduce_sum3A_24 = vector.shape_cast %reduce_sum3A_23 : vector<1xf32> to vector<1x1xf32>
    %reduce_sum3A_25 = vector.extract %reduce_sum3A_24[0, 0] : f32 from vector<1x1xf32>
    %gt3A_26 = arith.constant 0.000000e+00 : f32
    %gt3A_27 = arith.cmpf ogt, %reduce_sum3A_25, %gt3A_26 : f32
    %reduce_sum3A_28 = vector.shape_cast %min3A : vector<64xf32> to vector<1x64xf32>
    %reduce_sum3A_29 = arith.constant dense<0.000000e+00> : vector<1xf32>
    %reduce_sum3A_30 = vector.multi_reduction <add>, %reduce_sum3A_28, %reduce_sum3A_29 [1] : vector<1x64xf32> to vector<1xf32>
    %reduce_sum3A_31 = vector.shape_cast %reduce_sum3A_30 : vector<1xf32> to vector<1x1xf32>
    %reduce_sum3A_32 = vector.extract %reduce_sum3A_31[0, 0] : f32 from vector<1x1xf32>
    %jit3A = arith.constant 1.000000e+02 : f32
    %select_n3A = arith.select %gt3A_27, %reduce_sum3A_32, %jit3A : f32
    %floor3A = math.floor %select_n3A : f32
    %reduce_sum3A_33 = vector.shape_cast %broadcast_in_dim3A : vector<1x2048xf32> to vector<1x1x2048xf32>
    %reduce_sum3A_34 = arith.constant dense<0.000000e+00> : vector<1xf32>
    %reduce_sum3A_35 = vector.multi_reduction <add>, %reduce_sum3A_33, %reduce_sum3A_34 [1, 2] : vector<1x1x2048xf32> to vector<1xf32>
    %reduce_sum3A_36 = vector.shape_cast %reduce_sum3A_35 : vector<1xf32> to vector<1x1x1xf32>
    %reduce_sum3A_37 = vector.extract %reduce_sum3A_36[0, 0, 0] : f32 from vector<1x1x1xf32>
    %jit3A_38 = arith.constant 0.000000e+00 : f32
    %max3A = arith.maximumf %jit3A_38, %floor3A : f32
    %min3A_39 = arith.minimumf %reduce_sum3A_37, %max3A : f32
    %add3A = arith.constant 0 : i32
    %add3A_40 = arith.constant 1024 : i32
    %add3A_41 = arith.addi %add3A, %add3A_40 : i32
    %le3A = arith.constant 2047 : i32
    %le3A_42 = arith.cmpi sle, %add3A_41, %le3A : i32
    %ge3A = vector.broadcast %add3A_41 : i32 to vector<1x2048xi32>
    %ge3A_43 = arith.cmpi sge, %iota3A, %ge3A : vector<1x2048xi32>
    %jit3A_44 = arith.constant 0.000000e+00 : f32
    %broadcast_in_dim3A_45 = vector.broadcast %jit3A_44 : f32 to vector<1x2048xf32>
    %select_n3A_46 = arith.select %ge3A_43, %broadcast_in_dim3A, %broadcast_in_dim3A_45 : vector<1x2048xi1>, vector<1x2048xf32>
    %reduce_sum3A_47 = vector.shape_cast %select_n3A_46 : vector<1x2048xf32> to vector<1x1x2048xf32>
    %reduce_sum3A_48 = arith.constant dense<0.000000e+00> : vector<1xf32>
    %reduce_sum3A_49 = vector.multi_reduction <add>, %reduce_sum3A_47, %reduce_sum3A_48 [1, 2] : vector<1x1x2048xf32> to vector<1xf32>
    %reduce_sum3A_50 = vector.shape_cast %reduce_sum3A_49 : vector<1xf32> to vector<1x1x1xf32>
    %reduce_sum3A_51 = vector.extract %reduce_sum3A_50[0, 0, 0] : f32 from vector<1x1x1xf32>
    %ge3A_52 = arith.cmpf oge, %reduce_sum3A_51, %min3A_39 : f32
    %and3A = arith.andi %le3A_42, %ge3A_52 : i1
    %jit3A_53 = arith.constant 0 : i32
    %select_n3A_54 = arith.select %and3A, %add3A_41, %jit3A_53 : i32
    %add3A_55 = arith.constant 512 : i32
    %add3A_56 = arith.addi %select_n3A_54, %add3A_55 : i32
    %le3A_57 = arith.constant 2047 : i32
    %le3A_58 = arith.cmpi sle, %add3A_56, %le3A_57 : i32
    %ge3A_59 = vector.broadcast %add3A_56 : i32 to vector<1x2048xi32>
    %ge3A_60 = arith.cmpi sge, %iota3A, %ge3A_59 : vector<1x2048xi32>
    %jit3A_61 = arith.constant 0.000000e+00 : f32
    %broadcast_in_dim3A_62 = vector.broadcast %jit3A_61 : f32 to vector<1x2048xf32>
    %select_n3A_63 = arith.select %ge3A_60, %broadcast_in_dim3A, %broadcast_in_dim3A_62 : vector<1x2048xi1>, vector<1x2048xf32>
    %reduce_sum3A_64 = vector.shape_cast %select_n3A_63 : vector<1x2048xf32> to vector<1x1x2048xf32>
    %reduce_sum3A_65 = arith.constant dense<0.000000e+00> : vector<1xf32>
    %reduce_sum3A_66 = vector.multi_reduction <add>, %reduce_sum3A_64, %reduce_sum3A_65 [1, 2] : vector<1x1x2048xf32> to vector<1xf32>
    %reduce_sum3A_67 = vector.shape_cast %reduce_sum3A_66 : vector<1xf32> to vector<1x1x1xf32>
    %reduce_sum3A_68 = vector.extract %reduce_sum3A_67[0, 0, 0] : f32 from vector<1x1x1xf32>
    %ge3A_69 = arith.cmpf oge, %reduce_sum3A_68, %min3A_39 : f32
    %and3A_70 = arith.andi %le3A_58, %ge3A_69 : i1
    %select_n3A_71 = arith.select %and3A_70, %add3A_56, %select_n3A_54 : i32
    %add3A_72 = arith.constant 256 : i32
    %add3A_73 = arith.addi %select_n3A_71, %add3A_72 : i32
    %le3A_74 = arith.constant 2047 : i32
    %le3A_75 = arith.cmpi sle, %add3A_73, %le3A_74 : i32
    %ge3A_76 = vector.broadcast %add3A_73 : i32 to vector<1x2048xi32>
    %ge3A_77 = arith.cmpi sge, %iota3A, %ge3A_76 : vector<1x2048xi32>
    %jit3A_78 = arith.constant 0.000000e+00 : f32
    %broadcast_in_dim3A_79 = vector.broadcast %jit3A_78 : f32 to vector<1x2048xf32>
    %select_n3A_80 = arith.select %ge3A_77, %broadcast_in_dim3A, %broadcast_in_dim3A_79 : vector<1x2048xi1>, vector<1x2048xf32>
    %reduce_sum3A_81 = vector.shape_cast %select_n3A_80 : vector<1x2048xf32> to vector<1x1x2048xf32>
    %reduce_sum3A_82 = arith.constant dense<0.000000e+00> : vector<1xf32>
    %reduce_sum3A_83 = vector.multi_reduction <add>, %reduce_sum3A_81, %reduce_sum3A_82 [1, 2] : vector<1x1x2048xf32> to vector<1xf32>
    %reduce_sum3A_84 = vector.shape_cast %reduce_sum3A_83 : vector<1xf32> to vector<1x1x1xf32>
    %reduce_sum3A_85 = vector.extract %reduce_sum3A_84[0, 0, 0] : f32 from vector<1x1x1xf32>
    %ge3A_86 = arith.cmpf oge, %reduce_sum3A_85, %min3A_39 : f32
    %and3A_87 = arith.andi %le3A_75, %ge3A_86 : i1
    %select_n3A_88 = arith.select %and3A_87, %add3A_73, %select_n3A_71 : i32
    %add3A_89 = arith.constant 128 : i32
    %add3A_90 = arith.addi %select_n3A_88, %add3A_89 : i32
    %le3A_91 = arith.constant 2047 : i32
    %le3A_92 = arith.cmpi sle, %add3A_90, %le3A_91 : i32
    %ge3A_93 = vector.broadcast %add3A_90 : i32 to vector<1x2048xi32>
    %ge3A_94 = arith.cmpi sge, %iota3A, %ge3A_93 : vector<1x2048xi32>
    %jit3A_95 = arith.constant 0.000000e+00 : f32
    %broadcast_in_dim3A_96 = vector.broadcast %jit3A_95 : f32 to vector<1x2048xf32>
    %select_n3A_97 = arith.select %ge3A_94, %broadcast_in_dim3A, %broadcast_in_dim3A_96 : vector<1x2048xi1>, vector<1x2048xf32>
    %reduce_sum3A_98 = vector.shape_cast %select_n3A_97 : vector<1x2048xf32> to vector<1x1x2048xf32>
    %reduce_sum3A_99 = arith.constant dense<0.000000e+00> : vector<1xf32>
    %reduce_sum3A_100 = vector.multi_reduction <add>, %reduce_sum3A_98, %reduce_sum3A_99 [1, 2] : vector<1x1x2048xf32> to vector<1xf32>
    %reduce_sum3A_101 = vector.shape_cast %reduce_sum3A_100 : vector<1xf32> to vector<1x1x1xf32>
    %reduce_sum3A_102 = vector.extract %reduce_sum3A_101[0, 0, 0] : f32 from vector<1x1x1xf32>
    %ge3A_103 = arith.cmpf oge, %reduce_sum3A_102, %min3A_39 : f32
    %and3A_104 = arith.andi %le3A_92, %ge3A_103 : i1
    %select_n3A_105 = arith.select %and3A_104, %add3A_90, %select_n3A_88 : i32
    %add3A_106 = arith.constant 64 : i32
    %add3A_107 = arith.addi %select_n3A_105, %add3A_106 : i32
    %le3A_108 = arith.constant 2047 : i32
    %le3A_109 = arith.cmpi sle, %add3A_107, %le3A_108 : i32
    %ge3A_110 = vector.broadcast %add3A_107 : i32 to vector<1x2048xi32>
    %ge3A_111 = arith.cmpi sge, %iota3A, %ge3A_110 : vector<1x2048xi32>
    %jit3A_112 = arith.constant 0.000000e+00 : f32
    %broadcast_in_dim3A_113 = vector.broadcast %jit3A_112 : f32 to vector<1x2048xf32>
    %select_n3A_114 = arith.select %ge3A_111, %broadcast_in_dim3A, %broadcast_in_dim3A_113 : vector<1x2048xi1>, vector<1x2048xf32>
    %reduce_sum3A_115 = vector.shape_cast %select_n3A_114 : vector<1x2048xf32> to vector<1x1x2048xf32>
    %reduce_sum3A_116 = arith.constant dense<0.000000e+00> : vector<1xf32>
    %reduce_sum3A_117 = vector.multi_reduction <add>, %reduce_sum3A_115, %reduce_sum3A_116 [1, 2] : vector<1x1x2048xf32> to vector<1xf32>
    %reduce_sum3A_118 = vector.shape_cast %reduce_sum3A_117 : vector<1xf32> to vector<1x1x1xf32>
    %reduce_sum3A_119 = vector.extract %reduce_sum3A_118[0, 0, 0] : f32 from vector<1x1x1xf32>
    %ge3A_120 = arith.cmpf oge, %reduce_sum3A_119, %min3A_39 : f32
    %and3A_121 = arith.andi %le3A_109, %ge3A_120 : i1
    %select_n3A_122 = arith.select %and3A_121, %add3A_107, %select_n3A_105 : i32
    %add3A_123 = arith.constant 32 : i32
    %add3A_124 = arith.addi %select_n3A_122, %add3A_123 : i32
    %le3A_125 = arith.constant 2047 : i32
    %le3A_126 = arith.cmpi sle, %add3A_124, %le3A_125 : i32
    %ge3A_127 = vector.broadcast %add3A_124 : i32 to vector<1x2048xi32>
    %ge3A_128 = arith.cmpi sge, %iota3A, %ge3A_127 : vector<1x2048xi32>
    %jit3A_129 = arith.constant 0.000000e+00 : f32
    %broadcast_in_dim3A_130 = vector.broadcast %jit3A_129 : f32 to vector<1x2048xf32>
    %select_n3A_131 = arith.select %ge3A_128, %broadcast_in_dim3A, %broadcast_in_dim3A_130 : vector<1x2048xi1>, vector<1x2048xf32>
    %reduce_sum3A_132 = vector.shape_cast %select_n3A_131 : vector<1x2048xf32> to vector<1x1x2048xf32>
    %reduce_sum3A_133 = arith.constant dense<0.000000e+00> : vector<1xf32>
    %reduce_sum3A_134 = vector.multi_reduction <add>, %reduce_sum3A_132, %reduce_sum3A_133 [1, 2] : vector<1x1x2048xf32> to vector<1xf32>
    %reduce_sum3A_135 = vector.shape_cast %reduce_sum3A_134 : vector<1xf32> to vector<1x1x1xf32>
    %reduce_sum3A_136 = vector.extract %reduce_sum3A_135[0, 0, 0] : f32 from vector<1x1x1xf32>
    %ge3A_137 = arith.cmpf oge, %reduce_sum3A_136, %min3A_39 : f32
    %and3A_138 = arith.andi %le3A_126, %ge3A_137 : i1
    %select_n3A_139 = arith.select %and3A_138, %add3A_124, %select_n3A_122 : i32
    %add3A_140 = arith.constant 16 : i32
    %add3A_141 = arith.addi %select_n3A_139, %add3A_140 : i32
    %le3A_142 = arith.constant 2047 : i32
    %le3A_143 = arith.cmpi sle, %add3A_141, %le3A_142 : i32
    %ge3A_144 = vector.broadcast %add3A_141 : i32 to vector<1x2048xi32>
    %ge3A_145 = arith.cmpi sge, %iota3A, %ge3A_144 : vector<1x2048xi32>
    %jit3A_146 = arith.constant 0.000000e+00 : f32
    %broadcast_in_dim3A_147 = vector.broadcast %jit3A_146 : f32 to vector<1x2048xf32>
    %select_n3A_148 = arith.select %ge3A_145, %broadcast_in_dim3A, %broadcast_in_dim3A_147 : vector<1x2048xi1>, vector<1x2048xf32>
    %reduce_sum3A_149 = vector.shape_cast %select_n3A_148 : vector<1x2048xf32> to vector<1x1x2048xf32>
    %reduce_sum3A_150 = arith.constant dense<0.000000e+00> : vector<1xf32>
    %reduce_sum3A_151 = vector.multi_reduction <add>, %reduce_sum3A_149, %reduce_sum3A_150 [1, 2] : vector<1x1x2048xf32> to vector<1xf32>
    %reduce_sum3A_152 = vector.shape_cast %reduce_sum3A_151 : vector<1xf32> to vector<1x1x1xf32>
    %reduce_sum3A_153 = vector.extract %reduce_sum3A_152[0, 0, 0] : f32 from vector<1x1x1xf32>
    %ge3A_154 = arith.cmpf oge, %reduce_sum3A_153, %min3A_39 : f32
    %and3A_155 = arith.andi %le3A_143, %ge3A_154 : i1
    %select_n3A_156 = arith.select %and3A_155, %add3A_141, %select_n3A_139 : i32
    %add3A_157 = arith.constant 8 : i32
    %add3A_158 = arith.addi %select_n3A_156, %add3A_157 : i32
    %le3A_159 = arith.constant 2047 : i32
    %le3A_160 = arith.cmpi sle, %add3A_158, %le3A_159 : i32
    %ge3A_161 = vector.broadcast %add3A_158 : i32 to vector<1x2048xi32>
    %ge3A_162 = arith.cmpi sge, %iota3A, %ge3A_161 : vector<1x2048xi32>
    %jit3A_163 = arith.constant 0.000000e+00 : f32
    %broadcast_in_dim3A_164 = vector.broadcast %jit3A_163 : f32 to vector<1x2048xf32>
    %select_n3A_165 = arith.select %ge3A_162, %broadcast_in_dim3A, %broadcast_in_dim3A_164 : vector<1x2048xi1>, vector<1x2048xf32>
    %reduce_sum3A_166 = vector.shape_cast %select_n3A_165 : vector<1x2048xf32> to vector<1x1x2048xf32>
    %reduce_sum3A_167 = arith.constant dense<0.000000e+00> : vector<1xf32>
    %reduce_sum3A_168 = vector.multi_reduction <add>, %reduce_sum3A_166, %reduce_sum3A_167 [1, 2] : vector<1x1x2048xf32> to vector<1xf32>
    %reduce_sum3A_169 = vector.shape_cast %reduce_sum3A_168 : vector<1xf32> to vector<1x1x1xf32>
    %reduce_sum3A_170 = vector.extract %reduce_sum3A_169[0, 0, 0] : f32 from vector<1x1x1xf32>
    %ge3A_171 = arith.cmpf oge, %reduce_sum3A_170, %min3A_39 : f32
    %and3A_172 = arith.andi %le3A_160, %ge3A_171 : i1
    %select_n3A_173 = arith.select %and3A_172, %add3A_158, %select_n3A_156 : i32
    %add3A_174 = arith.constant 4 : i32
    %add3A_175 = arith.addi %select_n3A_173, %add3A_174 : i32
    %le3A_176 = arith.constant 2047 : i32
    %le3A_177 = arith.cmpi sle, %add3A_175, %le3A_176 : i32
    %ge3A_178 = vector.broadcast %add3A_175 : i32 to vector<1x2048xi32>
    %ge3A_179 = arith.cmpi sge, %iota3A, %ge3A_178 : vector<1x2048xi32>
    %jit3A_180 = arith.constant 0.000000e+00 : f32
    %broadcast_in_dim3A_181 = vector.broadcast %jit3A_180 : f32 to vector<1x2048xf32>
    %select_n3A_182 = arith.select %ge3A_179, %broadcast_in_dim3A, %broadcast_in_dim3A_181 : vector<1x2048xi1>, vector<1x2048xf32>
    %reduce_sum3A_183 = vector.shape_cast %select_n3A_182 : vector<1x2048xf32> to vector<1x1x2048xf32>
    %reduce_sum3A_184 = arith.constant dense<0.000000e+00> : vector<1xf32>
    %reduce_sum3A_185 = vector.multi_reduction <add>, %reduce_sum3A_183, %reduce_sum3A_184 [1, 2] : vector<1x1x2048xf32> to vector<1xf32>
    %reduce_sum3A_186 = vector.shape_cast %reduce_sum3A_185 : vector<1xf32> to vector<1x1x1xf32>
    %reduce_sum3A_187 = vector.extract %reduce_sum3A_186[0, 0, 0] : f32 from vector<1x1x1xf32>
    %ge3A_188 = arith.cmpf oge, %reduce_sum3A_187, %min3A_39 : f32
    %and3A_189 = arith.andi %le3A_177, %ge3A_188 : i1
    %select_n3A_190 = arith.select %and3A_189, %add3A_175, %select_n3A_173 : i32
    %add3A_191 = arith.constant 2 : i32
    %add3A_192 = arith.addi %select_n3A_190, %add3A_191 : i32
    %le3A_193 = arith.constant 2047 : i32
    %le3A_194 = arith.cmpi sle, %add3A_192, %le3A_193 : i32
    %ge3A_195 = vector.broadcast %add3A_192 : i32 to vector<1x2048xi32>
    %ge3A_196 = arith.cmpi sge, %iota3A, %ge3A_195 : vector<1x2048xi32>
    %jit3A_197 = arith.constant 0.000000e+00 : f32
    %broadcast_in_dim3A_198 = vector.broadcast %jit3A_197 : f32 to vector<1x2048xf32>
    %select_n3A_199 = arith.select %ge3A_196, %broadcast_in_dim3A, %broadcast_in_dim3A_198 : vector<1x2048xi1>, vector<1x2048xf32>
    %reduce_sum3A_200 = vector.shape_cast %select_n3A_199 : vector<1x2048xf32> to vector<1x1x2048xf32>
    %reduce_sum3A_201 = arith.constant dense<0.000000e+00> : vector<1xf32>
    %reduce_sum3A_202 = vector.multi_reduction <add>, %reduce_sum3A_200, %reduce_sum3A_201 [1, 2] : vector<1x1x2048xf32> to vector<1xf32>
    %reduce_sum3A_203 = vector.shape_cast %reduce_sum3A_202 : vector<1xf32> to vector<1x1x1xf32>
    %reduce_sum3A_204 = vector.extract %reduce_sum3A_203[0, 0, 0] : f32 from vector<1x1x1xf32>
    %ge3A_205 = arith.cmpf oge, %reduce_sum3A_204, %min3A_39 : f32
    %and3A_206 = arith.andi %le3A_194, %ge3A_205 : i1
    %select_n3A_207 = arith.select %and3A_206, %add3A_192, %select_n3A_190 : i32
    %add3A_208 = arith.constant 1 : i32
    %add3A_209 = arith.addi %select_n3A_207, %add3A_208 : i32
    %le3A_210 = arith.constant 2047 : i32
    %le3A_211 = arith.cmpi sle, %add3A_209, %le3A_210 : i32
    %ge3A_212 = vector.broadcast %add3A_209 : i32 to vector<1x2048xi32>
    %ge3A_213 = arith.cmpi sge, %iota3A, %ge3A_212 : vector<1x2048xi32>
    %jit3A_214 = arith.constant 0.000000e+00 : f32
    %broadcast_in_dim3A_215 = vector.broadcast %jit3A_214 : f32 to vector<1x2048xf32>
    %select_n3A_216 = arith.select %ge3A_213, %broadcast_in_dim3A, %broadcast_in_dim3A_215 : vector<1x2048xi1>, vector<1x2048xf32>
    %reduce_sum3A_217 = vector.shape_cast %select_n3A_216 : vector<1x2048xf32> to vector<1x1x2048xf32>
    %reduce_sum3A_218 = arith.constant dense<0.000000e+00> : vector<1xf32>
    %reduce_sum3A_219 = vector.multi_reduction <add>, %reduce_sum3A_217, %reduce_sum3A_218 [1, 2] : vector<1x1x2048xf32> to vector<1xf32>
    %reduce_sum3A_220 = vector.shape_cast %reduce_sum3A_219 : vector<1xf32> to vector<1x1x1xf32>
    %reduce_sum3A_221 = vector.extract %reduce_sum3A_220[0, 0, 0] : f32 from vector<1x1x1xf32>
    %ge3A_222 = arith.cmpf oge, %reduce_sum3A_221, %min3A_39 : f32
    %and3A_223 = arith.andi %le3A_211, %ge3A_222 : i1
    %select_n3A_224 = arith.select %and3A_223, %add3A_209, %select_n3A_207 : i32
    %add3A_225 = arith.constant 1 : i32
    %add3A_226 = arith.addi %select_n3A_224, %add3A_225 : i32
    %ge3A_227 = vector.broadcast %add3A_226 : i32 to vector<1x2048xi32>
    %ge3A_228 = arith.cmpi sge, %iota3A, %ge3A_227 : vector<1x2048xi32>
    %jit3A_229 = arith.constant 0.000000e+00 : f32
    %broadcast_in_dim3A_230 = vector.broadcast %jit3A_229 : f32 to vector<1x2048xf32>
    %select_n3A_231 = arith.select %ge3A_228, %broadcast_in_dim3A, %broadcast_in_dim3A_230 : vector<1x2048xi1>, vector<1x2048xf32>
    %reduce_sum3A_232 = vector.shape_cast %select_n3A_231 : vector<1x2048xf32> to vector<1x1x2048xf32>
    %reduce_sum3A_233 = arith.constant dense<0.000000e+00> : vector<1xf32>
    %reduce_sum3A_234 = vector.multi_reduction <add>, %reduce_sum3A_232, %reduce_sum3A_233 [1, 2] : vector<1x1x2048xf32> to vector<1xf32>
    %reduce_sum3A_235 = vector.shape_cast %reduce_sum3A_234 : vector<1xf32> to vector<1x1x1xf32>
    %reduce_sum3A_236 = vector.extract %reduce_sum3A_235[0, 0, 0] : f32 from vector<1x1x1xf32>
    %add3A_237 = arith.constant 1 : i32
    %add3A_238 = arith.addi %select_n3A_224, %add3A_237 : i32
    %ge3A_239 = vector.broadcast %add3A_238 : i32 to vector<1x2048xi32>
    %ge3A_240 = arith.cmpi sge, %iota3A, %ge3A_239 : vector<1x2048xi32>
    %jit3A_241 = arith.constant 0.000000e+00 : f32
    %broadcast_in_dim3A_242 = vector.broadcast %jit3A_241 : f32 to vector<1x2048xf32>
    %select_n3A_243 = arith.select %ge3A_240, %broadcast_in_dim3A_8, %broadcast_in_dim3A_242 : vector<1x2048xi1>, vector<1x2048xf32>
    %reduce_sum3A_244 = vector.shape_cast %select_n3A_243 : vector<1x2048xf32> to vector<1x1x2048xf32>
    %reduce_sum3A_245 = arith.constant dense<0.000000e+00> : vector<1xf32>
    %reduce_sum3A_246 = vector.multi_reduction <add>, %reduce_sum3A_244, %reduce_sum3A_245 [1, 2] : vector<1x1x2048xf32> to vector<1xf32>
    %reduce_sum3A_247 = vector.shape_cast %reduce_sum3A_246 : vector<1xf32> to vector<1x1x1xf32>
    %reduce_sum3A_248 = vector.extract %reduce_sum3A_247[0, 0, 0] : f32 from vector<1x1x1xf32>
    %ge3A_249 = vector.broadcast %select_n3A_224 : i32 to vector<1x2048xi32>
    %ge3A_250 = arith.cmpi sge, %iota3A, %ge3A_249 : vector<1x2048xi32>
    %jit3A_251 = arith.constant 0.000000e+00 : f32
    %broadcast_in_dim3A_252 = vector.broadcast %jit3A_251 : f32 to vector<1x2048xf32>
    %select_n3A_253 = arith.select %ge3A_250, %broadcast_in_dim3A, %broadcast_in_dim3A_252 : vector<1x2048xi1>, vector<1x2048xf32>
    %reduce_sum3A_254 = vector.shape_cast %select_n3A_253 : vector<1x2048xf32> to vector<1x1x2048xf32>
    %reduce_sum3A_255 = arith.constant dense<0.000000e+00> : vector<1xf32>
    %reduce_sum3A_256 = vector.multi_reduction <add>, %reduce_sum3A_254, %reduce_sum3A_255 [1, 2] : vector<1x1x2048xf32> to vector<1xf32>
    %reduce_sum3A_257 = vector.shape_cast %reduce_sum3A_256 : vector<1xf32> to vector<1x1x1xf32>
    %reduce_sum3A_258 = vector.extract %reduce_sum3A_257[0, 0, 0] : f32 from vector<1x1x1xf32>
    %sub3A_259 = arith.subf %reduce_sum3A_258, %reduce_sum3A_236 : f32
    %sub3A_260 = arith.subf %min3A_39, %reduce_sum3A_236 : f32
    %gt3A_261 = arith.constant 0.000000e+00 : f32
    %gt3A_262 = arith.cmpf ogt, %sub3A_259, %gt3A_261 : f32
    %max3A_263 = arith.constant 1.000000e+00 : f32
    %max3A_264 = arith.maximumf %sub3A_259, %max3A_263 : f32
    %div3A = arith.divf %sub3A_260, %max3A_264 : f32
    %jit3A_265 = arith.constant 0.000000e+00 : f32
    %select_n3A_266 = arith.select %gt3A_262, %div3A, %jit3A_265 : f32
    %eq3A = vector.broadcast %select_n3A_224 : i32 to vector<1x2048xi32>
    %eq3A_267 = arith.cmpi eq, %iota3A, %eq3A : vector<1x2048xi32>
    %jit3A_268 = arith.constant 0.000000e+00 : f32
    %broadcast_in_dim3A_269 = vector.broadcast %jit3A_268 : f32 to vector<1x2048xf32>
    %select_n3A_270 = arith.select %eq3A_267, %broadcast_in_dim3A_8, %broadcast_in_dim3A_269 : vector<1x2048xi1>, vector<1x2048xf32>
    %reduce_sum3A_271 = vector.shape_cast %select_n3A_270 : vector<1x2048xf32> to vector<1x1x2048xf32>
    %reduce_sum3A_272 = arith.constant dense<0.000000e+00> : vector<1xf32>
    %reduce_sum3A_273 = vector.multi_reduction <add>, %reduce_sum3A_271, %reduce_sum3A_272 [1, 2] : vector<1x1x2048xf32> to vector<1xf32>
    %reduce_sum3A_274 = vector.shape_cast %reduce_sum3A_273 : vector<1xf32> to vector<1x1x1xf32>
    %reduce_sum3A_275 = vector.extract %reduce_sum3A_274[0, 0, 0] : f32 from vector<1x1x1xf32>
    %mul3A_276 = arith.mulf %select_n3A_266, %reduce_sum3A_275 : f32
    %add3A_277 = arith.addf %reduce_sum3A_248, %mul3A_276 : f32
    %ne3A = arith.constant 0.000000e+00 : f32
    %ne3A_278 = vector.broadcast %ne3A : f32 to vector<64xf32>
    %ne3A_279 = arith.cmpf one, %reduce_sum3A_13, %ne3A_278 : vector<64xf32>
    %jit3A_280 = arith.constant 1.000000e+00 : f32
    %broadcast_in_dim3A_281 = vector.broadcast %jit3A_280 : f32 to vector<64xf32>
    %select_n3A_282 = arith.select %ne3A_279, %reduce_sum3A_13, %broadcast_in_dim3A_281 : vector<64xi1>, vector<64xf32>
    %reduce_sum3A_283 = vector.shape_cast %select_n3A_282 : vector<64xf32> to vector<1x64xf32>
    %reduce_sum3A_284 = arith.constant dense<0.000000e+00> : vector<1xf32>
    %reduce_sum3A_285 = vector.multi_reduction <add>, %reduce_sum3A_283, %reduce_sum3A_284 [1] : vector<1x64xf32> to vector<1xf32>
    %reduce_sum3A_286 = vector.shape_cast %reduce_sum3A_285 : vector<1xf32> to vector<1x1xf32>
    %reduce_sum3A_287 = vector.extract %reduce_sum3A_286[0, 0] : f32 from vector<1x1xf32>
    %get3A_288 = arith.constant 0 : index
    %get3A_289 = arith.constant 0 : index
    %get3A_290 = vector.load %arg3[%get3A_288, %get3A_289] : memref<64x4xf32, #tpu.memory_space<vmem>>, vector<64x4xf32>
    %reduce_sum3A_291 = vector.shape_cast %get3A_290 : vector<64x4xf32> to vector<1x64x4xf32>
    %reduce_sum3A_292 = arith.constant dense<0.000000e+00> : vector<1xf32>
    %reduce_sum3A_293 = vector.multi_reduction <add>, %reduce_sum3A_291, %reduce_sum3A_292 [1, 2] : vector<1x64x4xf32> to vector<1xf32>
    %reduce_sum3A_294 = vector.shape_cast %reduce_sum3A_293 : vector<1xf32> to vector<1x1x1xf32>
    %reduce_sum3A_295 = vector.extract %reduce_sum3A_294[0, 0, 0] : f32 from vector<1x1x1xf32>
    %add3A_296 = arith.addf %reduce_sum3A_295, %add3A_277 : f32
    %get3A_297 = arith.constant 0 : index
    %get3A_298 = arith.constant 0 : index
    %get3A_299 = vector.load %arg4[%get3A_297, %get3A_298] : memref<64x4xf32, #tpu.memory_space<vmem>>, vector<64x4xf32>
    %reduce_sum3A_300 = vector.shape_cast %get3A_299 : vector<64x4xf32> to vector<1x64x4xf32>
    %reduce_sum3A_301 = arith.constant dense<0.000000e+00> : vector<1xf32>
    %reduce_sum3A_302 = vector.multi_reduction <add>, %reduce_sum3A_300, %reduce_sum3A_301 [1, 2] : vector<1x64x4xf32> to vector<1xf32>
    %reduce_sum3A_303 = vector.shape_cast %reduce_sum3A_302 : vector<1xf32> to vector<1x1x1xf32>
    %reduce_sum3A_304 = vector.extract %reduce_sum3A_303[0, 0, 0] : f32 from vector<1x1x1xf32>
    %add3A_305 = arith.addf %add3A_296, %reduce_sum3A_304 : f32
    %div3A_306 = arith.divf %add3A_305, %reduce_sum3A_287 : f32
    %swap3A = arith.constant 0 : index
    %swap3A_307 = arith.constant 0 : index
    %swap3A_308 = memref.load %arg5[%swap3A, %swap3A_307] : memref<1x1xf32, #tpu.memory_space<smem>>
    memref.store %div3A_306, %arg5[%swap3A, %swap3A_307] : memref<1x1xf32, #tpu.memory_space<smem>>
    return
  }
}

</mosaic_0001>

<sc_bundles>
// kernel: kernel.5.cloned.1.call-start
scs
__scs_entry_jumppad:
0x0: {  	(pc) =	sbr.rel $0x88, $3  }
0x1: {  	(tag) =	ssettag $0x0;
	lr =	simm.s32 $0x1  }
0x2: {  	[smem:$0x3F9E] =	sst lr;
	_ =	strace $0xD0000000  }
0x3: {  	_ = 	snop  }
0x4: {  	_ = 	snop  }
0x5: {  	_ = 	snop  }
0x6: {  	_ = 	snop  }
0x7: {  	_ = 	snop  }
__scs_overlays_trampoline_lowered:
0x8: {  	[smem:$0x3FAD] =	sst s0  }
0x9: {  	[smem:$0x3FAE] =	sst s1  }
0xa: {  	[smem:$0x3FAF] =	sst s2  }
0xb: {  	[smem:$0x3FB0] =	sst s3  }
0xc: {  	[smem:$0x3FB1] =	sst s4  }
0xd: {  	[smem:$0x3FB2] =	sst s5  }
0xe: {  	[smem:$0x3FB3] =	sst s6  }
0xf: {  	[smem:$0x3FB4] =	sst s7  }
0x10: {  	[smem:$0x3FB5] =	sst s8  }
0x11: {  	[smem:$0x3FB6] =	sst s9;
	s0 =	simm.s32 @!p0 $0x0  }
0x12: {  	s1 =	sld [smem:$0x3F9C];
	s0 =	simm.s32 @p0 $0x1  }
0x13: {  	[smem:$0x3FB7] =	sst s0;
	s0 =	simm.s32 @!p1 $0x0  }
0x14: {  	s2 =	sld [smem:$0x3F9B];
	s0 =	simm.s32 @p1 $0x1  }
0x15: {  	[smem:$0x3FB8] =	sst s0;
	s0 =	simm.s32 @!p2 $0x0  }
0x16: {  	s3 =	sld [smem:$0x3FDB];
	s0 =	simm.s32 @p2 $0x1  }
0x17: {  	s4 =	simm.s32 $0x1BF5;
	[smem:$0x3FBA] =	sst s0  }
0x18: {  	s0 =	sld [smem:$0x3F9D];
	_ =	swait.ge [sflag:s4], $0x0  }
0x19: {  	s7 =	sld [smem:$0x3F9E]  }
0x1a: {  	s8 =	sadd.s32 $0xFFFFE003, lr  }
0x1b: {  	s9 =	sadd.s32 $0xFFFFFEF7, lr;
	s5 =	simm.s32 $0xFFFFFFFF;
	p2 =	slt.u32 s8, $0xFFFFF086  }
0x1c: {  	p1 =	slt.u32 s9, $0xF7A;
	s5 =	simm.s32 @!p2 $0x0  }
0x1d: {  	s5 =	simm.s32 @p1 $0x1;
	p0 =	seq.s32 s7, s2  }
0x1e: {  	s7 =	smul.u32 @!p0 $0xF7A, s2;
	p2 =	seq.s32 @!p0 s5, $0x0  }
0x1f: {  	s9 =	smul.u32 $0xF7A, s1;
	s8 =	simm.s32 @!p0 $0x1BF5;
	p2 =	por !p2, p0  }
0x20: {  	[sflag:s8] =	ssyncset.s32 @!p0 $0xFFFFF086;
	s6 =	sadd.s32 @!p0 s3, s7;
	s7 =	simm.s32 @!p0 $0x108  }
0x21: {  	s3 =	sadd.s32 s3, s9;
	s6 =	sadd.s32 @!p0 $0x88, s6;
	s7 =	simm.s32 @p2 $0x1082  }
0x22: {  	[simem:s7], [sflag:s8] =	dma.local @!p0 [hbm:s6], $0xF7A  }
0x23: {  	s9 =	sor.u32 $0xD0000000, s2;
	s6 =	simm.s32 $0x108;
	_ =	swait.ge @!p0 [sflag:s8], $0x0  }
0x24: {  	s3 =	sadd.s32 $0x88, s3;
	s6 =	simm.s32 @!p1 $0x1082;
	[sflag:s4] =	ssyncset.s32 $0xFFFFF086  }
0x25: {  	[simem:s6], [sflag:s4] =	dma.local [hbm:s3], $0xF7A  }
0x26: {  	[smem:$0x3F9E] =	sst s1;
	(tag) =	ssettag s2;
	_ =	strace s9  }
0x27: {  	s1 =	sld [smem:$0x3FAE]  }
0x28: {  	s2 =	sld [smem:$0x3FAF]  }
0x29: {  	s4 =	sld [smem:$0x3FB1]  }
0x2a: {  	p0 =	seq.s32 s5, $0x0;
	s5 =	sld [smem:$0x3FB2]  }
0x2b: {  	s6 =	sld [smem:$0x3FB3]  }
0x2c: {  	s7 =	sld [smem:$0x3FB4]  }
0x2d: {  	s3 =	simm.s32 $0x108;
	s8 =	sld [smem:$0x3FB5]  }
0x2e: {  	s3 =	simm.s32 @!p0 $0x1082;
	s9 =	sld [smem:$0x3FB6]  }
0x2f: {  	lr =	sadd.s32 s0, s3;
	s0 =	sld [smem:$0x3FAD]  }
0x30: {  	s3 =	sld [smem:$0x3FB0]  }
0x31: {  	[smem:$0x3FB9] =	sst s10  }
0x32: {  	s10 =	sld [smem:$0x3FB7];
	_ =	sdelay $0x3  }
0x33: {  	p0 =	seq.s32 s10, $0x1;
	s10 =	sld [smem:$0x3FB9];
	_ =	sdelay $0x3  }
0x34: {  	[smem:$0x3FB9] =	sst s10  }
0x35: {  	s10 =	sld [smem:$0x3FB8];
	_ =	sdelay $0x3  }
0x36: {  	p1 =	seq.s32 s10, $0x1;
	s10 =	sld [smem:$0x3FB9];
	_ =	sdelay $0x3  }
0x37: {  	[smem:$0x3FB9] =	sst s10  }
0x38: {  	s10 =	sld [smem:$0x3FBA]  }
0x39: {  	_ = 	snop;
	(pc) =	sbr.ind lr, $3  }
0x3a: {  	_ = 	snop  }
0x3b: {  	_ = 	snop  }
0x3c: {  	p2 =	seq.s32 s10, $0x1;
	s10 =	sld [smem:$0x3FB9]  }
0x3d: {  	_ =	shalt  }
0x3e: {  	_ =	shalt  }
0x3f: {  	_ =	shalt  }
0x40: {  	_ =	shalt  }
0x41: {  	_ =	shalt  }
0x42: {  	_ =	shalt  }
0x43: {  	_ =	shalt  }
0x44: {  	_ =	shalt  }
0x45: {  	_ =	shalt  }
0x46: {  	_ =	shalt  }
0x47: {  	_ =	shalt  }
0x48: {  	_ =	shalt  }
0x49: {  	_ =	shalt  }
0x4a: {  	_ =	shalt  }
0x4b: {  	_ =	shalt  }
0x4c: {  	_ =	shalt  }
0x4d: {  	_ =	shalt  }
0x4e: {  	_ =	shalt  }
0x4f: {  	_ =	shalt  }
0x50: {  	_ =	shalt  }
0x51: {  	_ =	shalt  }
0x52: {  	_ =	shalt  }
0x53: {  	_ =	shalt  }
0x54: {  	_ =	shalt  }
0x55: {  	_ =	shalt  }
0x56: {  	_ =	shalt  }
0x57: {  	_ =	shalt  }
0x58: {  	_ =	shalt  }
0x59: {  	_ =	shalt  }
0x5a: {  	_ =	shalt  }
0x5b: {  	_ =	shalt  }
0x5c: {  	_ =	shalt  }
0x5d: {  	_ =	shalt  }
0x5e: {  	_ =	shalt  }
0x5f: {  	_ =	shalt  }
0x60: {  	_ =	shalt  }
0x61: {  	_ =	shalt  }
0x62: {  	_ =	shalt  }
0x63: {  	_ =	shalt  }
0x64: {  	_ =	shalt  }
0x65: {  	_ =	shalt  }
0x66: {  	_ =	shalt  }
0x67: {  	_ =	shalt  }
0x68: {  	_ =	shalt  }
0x69: {  	_ =	shalt  }
0x6a: {  	_ =	shalt  }
0x6b: {  	_ =	shalt  }
0x6c: {  	_ =	shalt  }
0x6d: {  	_ =	shalt  }
0x6e: {  	_ =	shalt  }
0x6f: {  	_ =	shalt  }
0x70: {  	_ =	shalt  }
0x71: {  	_ =	shalt  }
0x72: {  	_ =	shalt  }
0x73: {  	_ =	shalt  }
0x74: {  	_ =	shalt  }
0x75: {  	_ =	shalt  }
0x76: {  	_ =	shalt  }
0x77: {  	_ =	shalt  }
0x78: {  	_ =	shalt  }
0x79: {  	_ =	shalt  }
0x7a: {  	_ =	shalt  }
0x7b: {  	_ =	shalt  }
0x7c: {  	_ =	shalt  }
0x7d: {  	_ =	shalt  }
0x7e: {  	_ =	shalt  }
0x7f: {  	_ =	shalt  }
0x80: {  	_ =	shalt  }
0x81: {  	_ =	shalt  }
0x82: {  	_ =	shalt  }
0x83: {  	_ =	shalt  }
0x84: {  	_ =	shalt  }
0x85: {  	_ =	shalt  }
0x86: {  	_ =	shalt  }
0x87: {  	_ =	shalt  }
.Lfunc_end0:
.L_simem_size_0:
called_computation_lowered:
.L_overlay_start_0:
0x88: {  	s2 =	sld [smem:$0x3FD9]  }
0x89: {  	s3 =	sld [smem:$0x3FFE];
	_ =	sdelay $0x1  }
0x8a: {  	s1 =	srdreg.scid  }
0x8b: {  	s0 =	sand.u32 $0x1, s1  }
0x8c: {  	s16 =	sshll.u32 s0, $0xA;
	s2 =	sadd.s32 s3, s2  }
0x8d: {  	s2 =	sadd.s32 s2, s16  }
0x8e: {  	[smem:$0x3FC5] =	sst s2  }
0x8f: {  	_ = 	snop  }
0x90: {  	(tm) =	ssettm $0x1  }
0x91: {  	s17 =	sld [smem:$0x3FFB];
	_ =	sdelay $0x3  }
0x92: {  	_ =	strace s17  }
0x93: {  	s2 =	sld [smem:$0x3FFC];
	_ =	sdelay $0x3  }
0x94: {  	_ =	strace s2  }
0x95: {  	s2 =	sld [smem:$0x3FFD];
	_ =	sdelay $0x3  }
0x96: {  	_ =	strace s2  }
0x97: {  	_ =	strace $0x8FFFFFFF  }
0x98: {  	s18 =	sld [smem:$0x3FDB];
	_ =	sdelay $0x1  }
0x99: {  	s19 =	simm.s32 $_scs_section_size  }
0x9a: {  	s4 =	simm.s32 $_size__tile_overlayer_lowered;
	s5 =	simm.s32 $_tile_overlayer_lowered  }
0x9b: {  	s22 =	simm.s32 $0x1BFF;
	s21 =	sshll.u32 s5, $0x1;
	s2 =	sadd.s32 s19, s18  }
0x9c: {  	s6 =	simm.s32 $0x0;
	s20 =	sshll.u32 s4, $0x1;
	s4 =	sadd.s32 s21, s2  }
0x9d: {  	[timem:s6], [sflag:s22] =	dma.local [hbm:s4], s20  }
0x9e: {  	_ =	swait.ge [sflag:s22], s20  }
0x9f: {  	s3 =	ssub.s32 $0x0, s20;
	[sflag:s22] =	ssyncset.done $0x0  }
0xa0: {  	[sflag:s22] =	ssyncadd.s32 s3;
	_ =	sdelay $0x1  }
0xa1: {  	s23 =	simm.s32 $0x1B8B  }
0xa2: {  	_ =	swait.ge [sflag:s23], $0x1  }
0xa3: {  	[sflag:s23] =	ssyncset.done $0x0  }
0xa4: {  	s25 =	simm.s32 $0x1B8E;
	s24 =	sld [smem:$0x3FFE];
	[sflag:s23] =	ssyncadd.s32 $0xFFFFFFFF  }
0xa5: {  	s26 =	simm.s32 $execute0_lowered;
	[smem:$0x3FD2] =	sst s25  }
0xa6: {  	s4 =	sshll.u32 s26, $0x1;
	_ =	strace $0x80000046;
	[dreg:$0x1] =	wrdreg $0xFFFFFFFF  }
0xa7: {  	s28 =	simm.s32 $_size_execute0_lowered;
	s2 =	sadd.s32 s2, s4;
	[dreg:$0x0] =	wrdreg $0x0  }
0xa8: {  	s4 =	sshll.u32 s28, $0x1;
	[dreg:$0x2] =	wrdreg s2  }
0xa9: {  	[dreg:$0x3] =	wrdreg s4  }
0xaa: {  	[dreg:$0x4] =	wrdreg $0xC0  }
0xab: {  	_ =	task [dreg:s6], $0x5FFFF  }
0xac: {  	[dreg:$0x1] =	wrdreg $0xFFFFFFFF  }
0xad: {  	[dreg:$0x0] =	wrdreg $0x60  }
0xae: {  	[dreg:$0x2] =	wrdreg s24  }
0xaf: {  	[dreg:$0x3] =	wrdreg $0x9  }
0xb0: {  	_ =	task.clear_ibuf [dreg:s6], $0x4FFFF;
	_ =	strace $0x90000046  }
0xb1: {  	s29 =	simm.s32 $0x9;
	_ =	strace $0x80000048  }
0xb2: {  	_ =	swait.ge [sflag:s29], $0x1  }
0xb3: {  	[sflag:s29] =	ssyncadd.s32 $0xFFFFFFFF  }
0xb4: {  	_ =	strace $0x90000048  }
0xb5: {  	_ =	sfence  }
0xb6: {  	s30 =	sld [smem:$0x0];
	_ =	sdelay $0x2  }
0xb7: {  	s31 =	sshll.u32 s1, $0xD;
	s1 =	sshrl.u32 s1, $0x2  }
0xb8: {  	s3 =	sand.u32 $0x4000, s31;
	s1 =	sadd.s32 s1, s30  }
0xb9: {  	s0 =	sor.u32 s3, s0;
	s1 =	sshll.u32 s1, $0x11  }
0xba: {  	s0 =	sor.u32 s1, s0  }
0xbb: {  	s0 =	sadd.s32 $0x8F2B, s0  }
0xbc: {  	[sflag:s0] =	ssyncadd.remote.s32 $0x1  }
0xbd: {  	_ =	sfence.sel $0xFFFF  }
0xbe: {  	[dreg:$0x0] =	wrdreg $0xFFFFFFFF;
	(pc) =	sbr.abs _section_cstart, $3  }
0xbf: {  	[dreg:$0x1] =	wrdreg $0xFFFFFFFF  }
0xc0: {  	_ =	task.clear_ibuf [dreg:s6], $0x2FFFF;
	_ =	strace $0x9FFFFFFF  }
0xc1: {  	(tm) =	ssettm $0x7FFFFFFF  }
tec
execute0_lowered:
.L_overlay_start_1:
0x0: {  	(tag) =	ssettag $0x1  }
0x1: {  	s1 =	srdreg.scid;
	s0 =	stileid.u32  }
0x2: {  	s3 =	rddreg [dreg:$0x0];
	s2 =	simm.s32 $0x0;
	s8 =	simm.s32 $0x1  }
0x3: {  	s9 =	simm.s32 $0x4480;
	s10 =	simm.s32 $0x8900;
	s11 =	simm.s32 $0x10900  }
0x4: {  	s12 =	simm.s32 $0x80;
	s13 =	simm.s32 $0x400;
	s14 =	simm.s32 $0x0  }
0x5: {  	s4 =	sand.u32 $0x1, s1;
	s5 =	sshll.u32 s0, $0x1;
	s1 =	rddreg [dreg:$0x1]  }
0x6: {  	[smem:$0x7FF] =	sst s2;
	s6 =	sshll.u32 s0, $0xD;
	s5 =	sor.u32 s4, s5  }
0x7: {  	s4 =	ssub.s32 $0x2, s4;
	s7 =	sshll.u32 s5, $0x4;
	s5 =	smul.u32 $0x887, s5  }
0x8: {  	_ =	strace $0x80000047;
	s31 =	sshrl.u32 s4, $0x1;
	s6 =	sor.u32 s6, s7  }
0x9: {  	s7 =	ssub.s32 s4, s31;
	s6 =	sand.u32 $0x18070, s6;
	s5 =	sadd.s32 s5, s3  }
0xa: {  	v0 =	vimm.f32 $0.0e+00;
	v1 =	vlaneseq.u32;
	s7 =	smax.u32 s7, $0x1;
	s6 =	sadd.s32 s6, s3;
	s3 =	sadd.s32 $0x15200, s5  }
0xb: {  	v2 =	vimm.f32 $1.000000000e+00;
	vm0 =	vcmask $0x3F20;
	v1 =	vmul.u32 $0x800, v1;
	s4 =	sadd.s32 $0x4000, s5;
	s5 =	sadd.s32 $0x26400, s6;
	s6 =	sadd.s32 $0x46400, s6  }
.LBB2_1:
0xc: {  	[tilespmem:s2], [sflag:$0x1] =	stream.linear.gather [hbm4b:s3+s2], $0x4438, $0x38;
	[tilespmem:$0x18900] =	vst v63  }
0xd: {  	_ =	swait.ge [sflag:s8], $0x4438  }
0xe: {  	[sflag:s8] =	ssyncset.done $0x0  }
0xf: {  	[sflag:s8] =	ssyncadd.s32 $0xFFFFBBC8  }
0x10: {  	[tilespmem:s9], [sflag:$0x1] =	stream.linear.gather [hbm4b:s4+s2], $0x4438, $0x38;
	[tilespmem:$0x18900] =	vst v63  }
0x11: {  	_ =	swait.ge [sflag:s8], $0x4438  }
0x12: {  	[sflag:s8] =	ssyncset.done $0x0  }
0x13: {  	s15 =	simm.s32 $0x0;
	[sflag:s8] =	ssyncadd.s32 $0xFFFFBBC8  }
.LBB2_2:
0x14: {  	p0 =	sne.s32 s15, $0x1FFC0  }
.Ltmp0:
0x15: {  	_ = 	snop;
	(pc) =	sbr.rel @p0 .LBB2_2-.Ltmp0, $4  }
0x16: {  	_ = 	snop  }
0x17: {  	s16 =	sshra.s32 s15, $0x2  }
0x18: {  	[tilespmem:s16+$0x8900] =	vst v0  }
0x19: {  	s15 =	sadd.s32 $0x40, s15;
	[tilespmem:s16+$0x10900] =	vst v0  }
0x1a: {  	s15 =	simm.s32 $0x0  }
0x1b: {  	s16 =	simm.s32 $0x40;
	v3 =	vld [tilespmem:s15+$0x0]  }
.LBB2_4:
0x1c: {  	p0 =	sne.s32 s16, $0x11080;
	_ =	sdelay $0x3  }
0x1d: {  	v3 =	vmul.f32 $2.048000000e+03, v3;
	_ =	sdelay $0x1  }
0x1e: {  	v3 =	vtrunc.f32 v3  }
0x1f: {  	v3 =	vcvt.f32.s32 v3;
	_ =	sdelay $0x1  }
0x20: {  	vm1 =	vgt.s32 v3, $0x0  }
0x21: {  	v3 =	vnsel vm1, $0x0, v3  }
0x22: {  	v3 =	vmin.u32 v3, $0x7FF  }
0x23: {  	v3 =	vor.u32 v1, v3  }
0x24: {  	v4 =	vld [tilespmem:s15+$0x4480];
	_ =	sdelay $0x1  }
.Ltmp1:
0x25: {  	(pc) =	sbr.rel @p0 .LBB2_4-.Ltmp1, $4  }
0x26: {  	_ = 	snop  }
0x27: {  	[tilespmem:v3+s10+$0x0] =	vst.idx.add.f32.msk $0xffff, v2  }
0x28: {  	s15 =	sshra.s32 s16, $0x2;
	[tilespmem:v3+s11+$0x0] =	vst.idx.add.f32.msk $0xffff, v4  }
0x29: {  	s16 =	sadd.s32 $0x40, s16;
	v3 =	vld [tilespmem:s15+$0x0]  }
0x2a: {  	_ =	sdelay $0x3  }
0x2b: {  	v3 =	vmul.f32 $2.048000000e+03, v3;
	_ =	sdelay $0x1  }
0x2c: {  	v3 =	vtrunc.f32 v3  }
0x2d: {  	v3 =	vcvt.f32.s32 v3;
	_ =	sdelay $0x1  }
0x2e: {  	vm1 =	vgt.s32 v3, $0x0  }
0x2f: {  	v3 =	vnsel vm1, $0x0, v3  }
0x30: {  	v3 =	vmin.u32 v3, $0x7FF  }
0x31: {  	v3 =	vor.u32 v1, v3  }
0x32: {  	v4 =	vld [tilespmem:s15+$0x4480];
	_ =	sdelay $0x3  }
0x33: {  	[tilespmem:v3+s10+$0x0] =	vst.idx.add.f32.msk $0xffff, v2  }
0x34: {  	[tilespmem:v3+s11+$0x0] =	vst.idx.add.f32.msk $0xffff, v4  }
0x35: {  	v3 =	vld [tilespmem:$0x4428];
	_ =	sdelay $0x4  }
0x36: {  	v3 =	vmul.f32 $2.048000000e+03, v3;
	_ =	sdelay $0x1  }
0x37: {  	v3 =	vtrunc.f32 v3  }
0x38: {  	v3 =	vcvt.f32.s32 v3;
	_ =	sdelay $0x1  }
0x39: {  	vm1 =	vgt.s32 v3, $0x0  }
0x3a: {  	v3 =	vnsel vm1, $0x0, v3  }
0x3b: {  	v3 =	vmin.u32 v3, $0x7FF  }
0x3c: {  	v3 =	vor.u32 v1, v3  }
0x3d: {  	v4 =	vld [tilespmem:$0x88A8];
	_ =	sdelay $0x3  }
0x3e: {  	[tilespmem:v3+s10+$0x0] =	vst.idx.add.f32.msk vm0, v2  }
0x3f: {  	[tilespmem:v3+s11+$0x0] =	vst.idx.add.f32.msk vm0, v4  }
0x40: {  	[hbm4b:s5+s12] =	stream.strided.scatter [tilespmem:s10], [sflag:$0x1], $0x8000, s13, s12, $0x38;
	[tilespmem:$0x18900] =	vst v63  }
0x41: {  	s14 =	sadd.s32 $0x1, s14;
	_ =	swait.ge [sflag:s8], $0x8000  }
0x42: {  	p0 =	sne.s32 s14, s7;
	[sflag:s8] =	ssyncset.done $0x0  }
.Ltmp2:
0x43: {  	[sflag:s8] =	ssyncadd.s32 $0xFFFF8000;
	(pc) =	sbr.rel @p0 .LBB2_1-.Ltmp2, $4  }
0x44: {  	[hbm4b:s6+s12] =	stream.strided.scatter [tilespmem:s11], [sflag:$0x1], $0x8000, s13, s12, $0x38;
	[tilespmem:$0x18900] =	vst v63  }
0x45: {  	_ =	swait.ge [sflag:s8], $0x8000  }
0x46: {  	[sflag:s8] =	ssyncset.done $0x0  }
0x47: {  	[sflag:s8] =	ssyncadd.s32 $0xFFFF8000  }
0x48: {  	_ =	sfence.sel $0x180000  }
0x49: {  	[bflag:$0x0] =	sbarrier.arrive $0xFFFF  }
0x4a: {  	p0 =	sne.s32 s0, $0x0;
	_ =	strace $0x90000047  }
0x4b: {  	s0 =	sadd.s32 @!p0 $0x100000, s1;
	[bflag:$0x2] =	sbarrier.arrive $0xFFFF  }
0x4c: {  	[sflag:s0] =	ssyncadd.tile.s32 @!p0 $0x1;
	_ =	shalt  }
.Lfunc_end2:
_tile_overlayer_lowered:
.L_overlay_start_2:
0x4d: {  	(tag) =	ssettag $0x2  }
0x4e: {  	s0 =	rddreg [dreg:$0x0];
	s2 =	stileid.u32  }
0x4f: {  	s1 =	rddreg [dreg:$0x1];
	p0 =	sne.s32 s2, $0x0  }
0x50: {  	s3 =	rddreg [dreg:$0x2];
	[bflag:$0x3] =	sbarrier.arrive $0xFFFF;
	s2 =	simm.s32 @!p0 $0x1C01  }
0x51: {  	[timem:s3], [sflag:s2] =	dma.local @!p0 [hbm:s0], s1  }
0x52: {  	s0 =	simm.s32 @!p0 $0x1  }
0x53: {  	_ =	swait.ge @!p0 [sflag:s0], s1  }
0x54: {  	s1 =	ssub.s32 @!p0 $0x0, s1;
	[sflag:s0] =	ssyncset.done @!p0 $0x0  }
0x55: {  	[sflag:s0] =	ssyncadd.s32 @!p0 s1  }
0x56: {  	[bflag:$0x3] =	sbarrier.arrive $0xFFFF  }
0x57: {  	_ =	shalt  }

</sc_bundles>
